<compile_context>
chip_gen: v7x
topology: tpu7x:2x2x1
jax: 0.10.2.dev20260603
libtpu: 0.0.44.dev20260713+nightly
codegen_flags: <defaults>
</compile_context>

<pallas_src>
import jax
import jax.numpy as jnp
from jax import lax
from jax.experimental import pallas as pl
from jax.experimental.pallas import tpu as pltpu
from jax.experimental.pallas import tpu_sc as plsc

N = 10000
D = 128
NC = 2
NS = 16
NW = NC * NS
K = 128
RPT = 632
RPAD = NS * RPT
TRASH = N
SPLIT0 = 0.66


def _core_chunks(E):
    cht = -(-E // (NS * K))
    ch0 = 2 * round(SPLIT0 * cht / 2)
    ch0 = max(2, min(ch0, cht))
    ch1 = max(2, 2 * (-(-(cht - ch0) // 2)))
    return ch0, ch1


def _sc_agg(ch0, ch1, with_deg):
    chmax = max(ch0, ch1)
    mesh = plsc.VectorSubcoreMesh(core_axis_name="c", subcore_axis_name="s")

    out_type = [jax.ShapeDtypeStruct((NC, RPAD, D), jnp.float32)]
    scratch = [
        pltpu.VMEM((chmax, K), jnp.int32),
        pltpu.VMEM((K,), jnp.int32),
        pltpu.VMEM((K,), jnp.int32),
        pltpu.VMEM((K, D), jnp.float32),
        pltpu.VMEM((K, D), jnp.float32),
        pltpu.VMEM_SHARED((RPAD, D), jnp.float32),
        pltpu.SemaphoreType.DMA,
        pltpu.SemaphoreType.DMA,
        pltpu.SemaphoreType.DMA,
        pltpu.SemaphoreType.DMA,
    ]
    if with_deg:
        out_type.append(jax.ShapeDtypeStruct((NC * RPAD,), jnp.float32))
        scratch.append(pltpu.VMEM((K,), jnp.float32))
        scratch.append(pltpu.VMEM_SHARED((RPAD,), jnp.float32))
        scratch.append(pltpu.VMEM((RPT,), jnp.float32))

    def body(x_hbm, src_hbm, dst_hbm, z2_hbm, z1_hbm, *rest):
        if with_deg:
            (acc_out, deg_out, dst_v, srcb0, srcb1, rows0, rows1, acc_s,
             gsem0, gsem1, isem0, isem1, ones_v, deg_s, deg_stage) = rest
        else:
            (acc_out, dst_v, srcb0, srcb1, rows0, rows1, acc_s,
             gsem0, gsem1, isem0, isem1) = rest
        c = lax.axis_index("c")
        s = lax.axis_index("s")
        wid = s * NC + c
        base0 = wid * (chmax * K)
        my_chunks = jnp.where(c == 0, ch0, ch1)

        srcb = (srcb0, srcb1)
        rows = (rows0, rows1)
        gsem = (gsem0, gsem1)
        isem = (isem0, isem1)

        pltpu.sync_copy(dst_hbm.at[wid], dst_v)

        pltpu.sync_copy(z2_hbm.at[pl.ds(s * RPT, RPT)],
                        acc_s.at[pl.ds(s * RPT, RPT)])
        if with_deg:
            pltpu.sync_copy(z1_hbm.at[pl.ds(s * RPT, RPT)], deg_stage)
            pltpu.sync_copy(deg_stage, deg_s.at[pl.ds(s * RPT, RPT)])
            for j in range(K // 16):
                ones_v[pl.ds(j * 16, 16)] = jnp.ones((16,), jnp.float32)
        plsc.subcore_barrier()

        def src_start(i, b):
            pltpu.async_copy(src_hbm.at[pl.ds(base0 + i * K, K)],
                             srcb[b], isem[b])

        def src_wait(b):
            pltpu.make_async_copy(src_hbm.at[pl.ds(0, K)], srcb[b],
                                  isem[b]).wait()

        def gather_start(b):
            pltpu.async_copy(x_hbm.at[srcb[b]], rows[b], gsem[b])

        def gather_wait(b):
            pltpu.make_async_copy(x_hbm.at[srcb[b]], rows[b],
                                  gsem[b]).wait()

        def scatter(i, b):
            pltpu.sync_copy(rows[b], acc_s.at[dst_v.at[i]], add=True)
            if with_deg:
                pltpu.sync_copy(ones_v, deg_s.at[dst_v.at[i]], add=True)

        src_start(0, 0)
        src_wait(0)
        gather_start(0)
        src_start(1, 1)
        src_wait(1)
        gather_start(1)

        def pair(j, carry):
            i0 = 2 * j
            gather_wait(0)
            scatter(i0, 0)

            @pl.when(i0 + 2 < my_chunks)
            def _():
                src_start(i0 + 2, 0)
                src_wait(0)
                gather_start(0)

            gather_wait(1)
            scatter(i0 + 1, 1)

            @pl.when(i0 + 3 < my_chunks)
            def _():
                src_start(i0 + 3, 1)
                src_wait(1)
                gather_start(1)

            return carry

        lax.fori_loop(0, my_chunks // 2, pair, 0)
        plsc.subcore_barrier()

        pltpu.sync_copy(acc_s.at[pl.ds(s * RPT, RPT)],
                        acc_out.at[c, pl.ds(s * RPT, RPT)])
        if with_deg:
            pltpu.sync_copy(deg_s.at[pl.ds(s * RPT, RPT)], deg_stage)
            pltpu.sync_copy(deg_stage,
                            deg_out.at[pl.ds(c * RPAD + s * RPT, RPT)])

    return pl.kernel(body, out_type=out_type, mesh=mesh,
                     scratch_types=scratch)


def _split_edges(idx, E, ch0, ch1, fill):
    chmax = max(ch0, ch1)
    cap0 = NS * ch0 * K
    cap1 = NS * ch1 * K
    idx_p = jnp.concatenate(
        [idx, jnp.full((cap0 + cap1 - E,), fill, jnp.int32)])
    p0 = idx_p[:cap0].reshape(NS, ch0, K)
    p1 = idx_p[cap0:].reshape(NS, ch1, K)
    p0 = jnp.pad(p0, ((0, 0), (0, chmax - ch0), (0, 0)),
                 constant_values=fill)
    p1 = jnp.pad(p1, ((0, 0), (0, chmax - ch1), (0, 0)),
                 constant_values=fill)
    return jnp.stack([p0, p1], axis=1).reshape(NW, chmax, K)


def _dot_t(a, b):
    return lax.dot_general(a, b, (((1,), (1,)), ((), ())),
                           preferred_element_type=jnp.float32)


def _tc1_body(acc_ref, invd_ref, x_ref, wl_ref, bl_ref, wr_ref,
              g_ref, b_ref, out_ref):
    aggsum = acc_ref[0, :N, :] + acc_ref[1, :N, :]
    agg = aggsum * invd_ref[...]
    p = _dot_t(agg, wl_ref[...]) + bl_ref[...] + _dot_t(x_ref[...], wr_ref[...])
    mu = jnp.mean(p, axis=0, keepdims=True)
    var = jnp.mean((p - mu) ** 2, axis=0, keepdims=True)
    h = (p - mu) * lax.rsqrt(var + 1e-5) * g_ref[...] + b_ref[...]
    out_ref[...] = jnp.maximum(h, 0.0)


def _tc2_body(acc_ref, invd_ref, h_ref, wl_ref, bl_ref, wr_ref,
              g_ref, b_ref, wfc_ref, bfc_ref, out_ref):
    aggsum = acc_ref[0, :N, :] + acc_ref[1, :N, :]
    agg = aggsum * invd_ref[...]
    p = _dot_t(agg, wl_ref[...]) + bl_ref[...] + _dot_t(h_ref[...], wr_ref[...])
    mu = jnp.mean(p, axis=0, keepdims=True)
    var = jnp.mean((p - mu) ** 2, axis=0, keepdims=True)
    h2 = (p - mu) * lax.rsqrt(var + 1e-5) * g_ref[...] + b_ref[...]
    h2 = jnp.maximum(h2, 0.0)
    out_ref[...] = _dot_t(h2, wfc_ref[...]) + bfc_ref[...]


def kernel(x, edge_index, W_l1, b_l1, W_r1, bn1_g, bn1_b,
           W_l2, b_l2, W_r2, bn2_g, bn2_b, W_fc, b_fc):
    E = edge_index.shape[1]
    ch0, ch1 = _core_chunks(E)
    src_p = _split_edges(edge_index[0], E, ch0, ch1, 0).reshape(-1)
    dst_p = _split_edges(edge_index[1], E, ch0, ch1, TRASH)
    z2 = jnp.zeros((RPAD, D), jnp.float32)
    z1 = jnp.zeros((RPAD,), jnp.float32)

    acc1, degp = _sc_agg(ch0, ch1, True)(x, src_p, dst_p, z2, z1)
    deg = degp[:N] + degp[RPAD:RPAD + N]
    inv_deg = (1.0 / jnp.maximum(deg, 1.0)).reshape(N, 1)

    h1 = pl.pallas_call(
        _tc1_body,
        out_shape=jax.ShapeDtypeStruct((N, D), jnp.float32),
    )(acc1, inv_deg, x, W_l1, b_l1.reshape(1, D), W_r1,
      bn1_g.reshape(1, D), bn1_b.reshape(1, D))

    (acc2,) = _sc_agg(ch0, ch1, False)(h1, src_p, dst_p, z2, z1)

    C = W_fc.shape[0]
    out = pl.pallas_call(
        _tc2_body,
        out_shape=jax.ShapeDtypeStruct((N, C), jnp.float32),
    )(acc2, inv_deg, h1, W_l2, b_l2.reshape(1, D), W_r2,
      bn2_g.reshape(1, D), bn2_b.reshape(1, D), W_fc, b_fc.reshape(1, C))
    return out

# --- scband reference (transcript-rebuilt; emitter-appended) ---
"""Pipeline reference for scband-gnnmodel-33088428048866 (READ-ONLY COPY).

The authoritative reference and input builder live on the scoring server;
editing this copy changes nothing except your own understanding.
"""

import jax, jax.numpy as jnp
import numpy as np

N = 10000
E = 320000
D = 128
H = 128
C = 40


def setup_inputs(seed: int = 0) -> dict:
    key = jax.random.key(seed)
    ks = jax.random.split(key, 16)
    x = jax.random.normal(ks[0], (N, D), dtype=jnp.float32)
    edge_index = jax.random.randint(ks[1], (2, E), 0, N, dtype=jnp.int32)
    s_d = 1.0 / np.sqrt(D)
    s_h = 1.0 / np.sqrt(H)
    W_l1 = jax.random.normal(ks[2], (H, D), jnp.float32) * s_d
    b_l1 = jnp.zeros((H,), jnp.float32)
    W_r1 = jax.random.normal(ks[3], (H, D), jnp.float32) * s_d
    W_l2 = jax.random.normal(ks[4], (H, H), jnp.float32) * s_h
    b_l2 = jnp.zeros((H,), jnp.float32)
    W_r2 = jax.random.normal(ks[5], (H, H), jnp.float32) * s_h
    bn1_g = jnp.ones((H,), jnp.float32)
    bn1_b = jnp.zeros((H,), jnp.float32)
    bn2_g = jnp.ones((H,), jnp.float32)
    bn2_b = jnp.zeros((H,), jnp.float32)
    W_fc = jax.random.normal(ks[6], (C, H), jnp.float32) * s_h
    b_fc = jnp.zeros((C,), jnp.float32)
    return {"x": x, "edge_index": edge_index, "W_l1": W_l1, "b_l1": b_l1,
            "W_r1": W_r1, "bn1_g": bn1_g, "bn1_b": bn1_b,
            "W_l2": W_l2, "b_l2": b_l2, "W_r2": W_r2,
            "bn2_g": bn2_g, "bn2_b": bn2_b, "W_fc": W_fc, "b_fc": b_fc}


def _sage_conv(x, edge_index, W_l, b_l, W_r):
    # PyG SAGEConv (mean aggregation): out = lin_l(mean_agg(x_j)) + lin_r(x_i)
    src = edge_index[0]
    dst = edge_index[1]
    msgs = jnp.take(x, src, axis=0)                       # gather (SparseCore)
    agg_sum = jax.ops.segment_sum(msgs, dst, num_segments=x.shape[0])
    deg = jax.ops.segment_sum(jnp.ones((edge_index.shape[1],), x.dtype), dst,
                              num_segments=x.shape[0])
    agg = agg_sum / jnp.maximum(deg, 1.0)[:, None]
    return agg @ W_l.T + b_l + x @ W_r.T


def _batch_norm(x, g, b, eps=1e-5):
    mu = jnp.mean(x, axis=0)
    var = jnp.var(x, axis=0)
    return (x - mu) / jnp.sqrt(var + eps) * g + b


def reference(x, edge_index, W_l1, b_l1, W_r1, bn1_g, bn1_b,
              W_l2, b_l2, W_r2, bn2_g, bn2_b, W_fc, b_fc):
    h = _sage_conv(x, edge_index, W_l1, b_l1, W_r1)
    h = _batch_norm(h, bn1_g, bn1_b)
    h = jax.nn.relu(h)
    # dropout is identity in eval mode
    h = _sage_conv(h, edge_index, W_l2, b_l2, W_r2)
    h = _batch_norm(h, bn2_g, bn2_b)
    h = jax.nn.relu(h)
    return h @ W_fc.T + b_fc

if __name__ == "__main__":
    import jax
    _d = setup_inputs()
    print(jax.jit(kernel)(*tuple(_d.values())))

</pallas_src>

<mosaic_0001>
#map = affine_map<(d0, d1) -> (0, 0)>
#map1 = affine_map<(d0, d1) -> (0)>
#map2 = affine_map<(d0, d1) -> (0, 0, 0)>
module attributes {stable_mosaic.version = 14 : i64} {
  func.func @body(%arg0: i32, %arg1: i32, %arg2: memref<10000x128xf32, #tpu.memory_space<hbm>>, %arg3: memref<425984xi32, #tpu.memory_space<hbm>>, %arg4: memref<32x104x128xi32, #tpu.memory_space<hbm>>, %arg5: memref<10112x128xf32, #tpu.memory_space<hbm>>, %arg6: memref<10112xf32, #tpu.memory_space<hbm>>, %arg7: memref<2x10112x128xf32, #tpu.memory_space<hbm>>, %arg8: memref<20224xf32, #tpu.memory_space<hbm>>, %arg9: memref<104x128xi32, #tpu.memory_space<vmem>>, %arg10: memref<128xi32, #tpu.memory_space<vmem>>, %arg11: memref<128xi32, #tpu.memory_space<vmem>>, %arg12: memref<128x128xf32, #tpu.memory_space<vmem>>, %arg13: memref<128x128xf32, #tpu.memory_space<vmem>>, %arg14: memref<10112x128xf32, #tpu.memory_space<vmem_shared>>, %arg15: memref<!tpu.dma_semaphore, #tpu.memory_space<semaphore_mem>>, %arg16: memref<!tpu.dma_semaphore, #tpu.memory_space<semaphore_mem>>, %arg17: memref<!tpu.dma_semaphore, #tpu.memory_space<semaphore_mem>>, %arg18: memref<!tpu.dma_semaphore, #tpu.memory_space<semaphore_mem>>, %arg19: memref<128xf32, #tpu.memory_space<vmem>>, %arg20: memref<10112xf32, #tpu.memory_space<vmem_shared>>, %arg21: memref<632xf32, #tpu.memory_space<vmem>>) attributes {dimension_semantics = [#tpu.dimension_semantics<core_parallel>, #tpu.dimension_semantics<subcore_parallel>], iteration_bounds = array<i64: 2, 16>, scalar_prefetch = 0 : i64, scratch_operands = 13 : i64, tpu.core_type = #tpu.core_type<sc_vector_subcore>, window_params = [{transform_indices = #map}, {transform_indices = #map1}, {transform_indices = #map2}, {transform_indices = #map}, {transform_indices = #map1}, {transform_indices = #map2}, {transform_indices = #map1}]} {
    %mul3A = arith.constant 2 : i32
    %mul3A_0 = arith.muli %arg1, %mul3A : i32
    %add3A = arith.addi %mul3A_0, %arg0 : i32
    %mul3A_1 = arith.constant 13312 : i32
    %mul3A_2 = arith.muli %add3A, %mul3A_1 : i32
    %eq3A = arith.constant 0 : i32
    %eq3A_3 = arith.cmpi eq, %arg0, %eq3A : i32
    %jit3A = arith.constant 104 : i32
    %jit3A_4 = arith.constant 54 : i32
    %select_n3A = arith.select %eq3A_3, %jit3A, %jit3A_4 : i32
    "tpu.region"() ({
      %run_scoped3A = tpu.sem_alloc : memref<!tpu.dma_semaphore, #tpu.memory_space<semaphore_mem>>
      %dma_start3A_118 = arith.constant 0 : i32
      %dma_start3A_119 = arith.constant 0 : i32
      %dma_start3A_120 = tpu.memref_slice %arg4[%add3A, %dma_start3A_118, %dma_start3A_119] : memref<32x104x128xi32, #tpu.memory_space<hbm>> -> memref<1x104x128xi32, #tpu.memory_space<hbm>>
      %dma_start3A_121 = tpu.memref_squeeze %dma_start3A_120 : memref<1x104x128xi32, #tpu.memory_space<hbm>> -> memref<104x128xi32, #tpu.memory_space<hbm>>
      %dma_start3A_122 = arith.constant 0 : i32
      %dma_start3A_123 = arith.constant 0 : i32
      %dma_start3A_124 = tpu.memref_slice %arg4[%add3A, %dma_start3A_122, %dma_start3A_123] : memref<32x104x128xi32, #tpu.memory_space<hbm>> -> memref<1x104x128xi32, #tpu.memory_space<hbm>>
      %dma_start3A_125 = tpu.memref_squeeze %dma_start3A_124 : memref<1x104x128xi32, #tpu.memory_space<hbm>> -> memref<104x128xi32, #tpu.memory_space<hbm>>
      tpu.enqueue_dma source(%dma_start3A_125 : memref<104x128xi32, #tpu.memory_space<hbm>>) target(%arg9 : memref<104x128xi32, #tpu.memory_space<vmem>>) target_semaphore(%run_scoped3A : memref<!tpu.dma_semaphore, #tpu.memory_space<semaphore_mem>>)
      %dma_wait3A_126 = arith.constant 0 : i32
      %dma_wait3A_127 = arith.constant 0 : i32
      %dma_wait3A_128 = tpu.memref_slice %arg4[%add3A, %dma_wait3A_126, %dma_wait3A_127] : memref<32x104x128xi32, #tpu.memory_space<hbm>> -> memref<1x104x128xi32, #tpu.memory_space<hbm>>
      %dma_wait3A_129 = tpu.memref_squeeze %dma_wait3A_128 : memref<1x104x128xi32, #tpu.memory_space<hbm>> -> memref<104x128xi32, #tpu.memory_space<hbm>>
      %dma_wait3A_130 = arith.constant 0 : i32
      %dma_wait3A_131 = arith.constant 0 : i32
      %dma_wait3A_132 = tpu.memref_slice %arg4[%add3A, %dma_wait3A_130, %dma_wait3A_131] : memref<32x104x128xi32, #tpu.memory_space<hbm>> -> memref<1x104x128xi32, #tpu.memory_space<hbm>>
      %dma_wait3A_133 = tpu.memref_squeeze %dma_wait3A_132 : memref<1x104x128xi32, #tpu.memory_space<hbm>> -> memref<104x128xi32, #tpu.memory_space<hbm>>
      tpu.wait_dma2 semaphore(%run_scoped3A : memref<!tpu.dma_semaphore, #tpu.memory_space<semaphore_mem>>) src(%dma_wait3A_133 : memref<104x128xi32, #tpu.memory_space<hbm>>) dst(%arg9 : memref<104x128xi32, #tpu.memory_space<vmem>>)
      tpu.yield
    }) : () -> ()
    %mul3A_5 = arith.constant 632 : i32
    %mul3A_6 = arith.muli %arg1, %mul3A_5 : i32
    %mul3A_7 = arith.constant 632 : i32
    %mul3A_8 = arith.muli %arg1, %mul3A_7 : i32
    "tpu.region"() ({
      %run_scoped3A = tpu.sem_alloc : memref<!tpu.dma_semaphore, #tpu.memory_space<semaphore_mem>>
      %dma_start3A_118 = arith.constant 0 : i32
      %dma_start3A_119 = tpu.memref_slice %arg14[%mul3A_8, %dma_start3A_118] : memref<10112x128xf32, #tpu.memory_space<vmem_shared>> -> memref<632x128xf32, #tpu.memory_space<vmem_shared>>
      %dma_start3A_120 = arith.constant 0 : i32
      %dma_start3A_121 = tpu.memref_slice %arg5[%mul3A_6, %dma_start3A_120] : memref<10112x128xf32, #tpu.memory_space<hbm>> -> memref<632x128xf32, #tpu.memory_space<hbm>>
      tpu.enqueue_dma source(%dma_start3A_121 : memref<632x128xf32, #tpu.memory_space<hbm>>) target(%dma_start3A_119 : memref<632x128xf32, #tpu.memory_space<vmem_shared>>) target_semaphore(%run_scoped3A : memref<!tpu.dma_semaphore, #tpu.memory_space<semaphore_mem>>)
      %dma_wait3A_122 = arith.constant 0 : i32
      %dma_wait3A_123 = tpu.memref_slice %arg14[%mul3A_8, %dma_wait3A_122] : memref<10112x128xf32, #tpu.memory_space<vmem_shared>> -> memref<632x128xf32, #tpu.memory_space<vmem_shared>>
      %dma_wait3A_124 = arith.constant 0 : i32
      %dma_wait3A_125 = tpu.memref_slice %arg5[%mul3A_6, %dma_wait3A_124] : memref<10112x128xf32, #tpu.memory_space<hbm>> -> memref<632x128xf32, #tpu.memory_space<hbm>>
      tpu.wait_dma2 semaphore(%run_scoped3A : memref<!tpu.dma_semaphore, #tpu.memory_space<semaphore_mem>>) src(%dma_wait3A_125 : memref<632x128xf32, #tpu.memory_space<hbm>>) dst(%dma_wait3A_123 : memref<632x128xf32, #tpu.memory_space<vmem_shared>>)
      tpu.yield
    }) : () -> ()
    %mul3A_9 = arith.constant 632 : i32
    %mul3A_10 = arith.muli %arg1, %mul3A_9 : i32
    "tpu.region"() ({
      %run_scoped3A = tpu.sem_alloc : memref<!tpu.dma_semaphore, #tpu.memory_space<semaphore_mem>>
      %dma_start3A_118 = tpu.memref_slice %arg6[%mul3A_10] : memref<10112xf32, #tpu.memory_space<hbm>> -> memref<632xf32, #tpu.memory_space<hbm>>
      %dma_start3A_119 = tpu.memref_slice %arg6[%mul3A_10] : memref<10112xf32, #tpu.memory_space<hbm>> -> memref<632xf32, #tpu.memory_space<hbm>>
      tpu.enqueue_dma source(%dma_start3A_119 : memref<632xf32, #tpu.memory_space<hbm>>) target(%arg21 : memref<632xf32, #tpu.memory_space<vmem>>) target_semaphore(%run_scoped3A : memref<!tpu.dma_semaphore, #tpu.memory_space<semaphore_mem>>)
      %dma_wait3A_120 = tpu.memref_slice %arg6[%mul3A_10] : memref<10112xf32, #tpu.memory_space<hbm>> -> memref<632xf32, #tpu.memory_space<hbm>>
      %dma_wait3A_121 = tpu.memref_slice %arg6[%mul3A_10] : memref<10112xf32, #tpu.memory_space<hbm>> -> memref<632xf32, #tpu.memory_space<hbm>>
      tpu.wait_dma2 semaphore(%run_scoped3A : memref<!tpu.dma_semaphore, #tpu.memory_space<semaphore_mem>>) src(%dma_wait3A_121 : memref<632xf32, #tpu.memory_space<hbm>>) dst(%arg21 : memref<632xf32, #tpu.memory_space<vmem>>)
      tpu.yield
    }) : () -> ()
    %mul3A_11 = arith.constant 632 : i32
    %mul3A_12 = arith.muli %arg1, %mul3A_11 : i32
    "tpu.region"() ({
      %run_scoped3A = tpu.sem_alloc : memref<!tpu.dma_semaphore, #tpu.memory_space<semaphore_mem>>
      %dma_start3A_118 = tpu.memref_slice %arg20[%mul3A_12] : memref<10112xf32, #tpu.memory_space<vmem_shared>> -> memref<632xf32, #tpu.memory_space<vmem_shared>>
      %dma_start3A_119 = tpu.memref_slice %arg20[%mul3A_12] : memref<10112xf32, #tpu.memory_space<vmem_shared>> -> memref<632xf32, #tpu.memory_space<vmem_shared>>
      tpu.enqueue_dma source(%arg21 : memref<632xf32, #tpu.memory_space<vmem>>) target(%dma_start3A_119 : memref<632xf32, #tpu.memory_space<vmem_shared>>) target_semaphore(%run_scoped3A : memref<!tpu.dma_semaphore, #tpu.memory_space<semaphore_mem>>)
      %dma_wait3A_120 = tpu.memref_slice %arg20[%mul3A_12] : memref<10112xf32, #tpu.memory_space<vmem_shared>> -> memref<632xf32, #tpu.memory_space<vmem_shared>>
      %dma_wait3A_121 = tpu.memref_slice %arg20[%mul3A_12] : memref<10112xf32, #tpu.memory_space<vmem_shared>> -> memref<632xf32, #tpu.memory_space<vmem_shared>>
      tpu.wait_dma2 semaphore(%run_scoped3A : memref<!tpu.dma_semaphore, #tpu.memory_space<semaphore_mem>>) src(%arg21 : memref<632xf32, #tpu.memory_space<vmem>>) dst(%dma_wait3A_121 : memref<632xf32, #tpu.memory_space<vmem_shared>>)
      tpu.yield
    }) : () -> ()
    %broadcast_in_dim3A = arith.constant 1.000000e+00 : f32
    %broadcast_in_dim3A_13 = vector.broadcast %broadcast_in_dim3A : f32 to vector<16xf32>
    %swap3A = arith.constant 0 : index
    %swap3A_14 = tpu.vector_load %arg19[%swap3A] {strides = array<i32>} : memref<128xf32, #tpu.memory_space<vmem>>, vector<16xf32>,
    %swap3A_15 = vector.shape_cast %swap3A_14 : vector<16xf32> to vector<16xf32>
    %swap3A_16 = vector.shape_cast %broadcast_in_dim3A_13 : vector<16xf32> to vector<16xf32>
    tpu.vector_store %arg19[%swap3A], %swap3A_16 {strides = array<i32>} : memref<128xf32, #tpu.memory_space<vmem>>, vector<16xf32>,
    %broadcast_in_dim3A_17 = arith.constant 1.000000e+00 : f32
    %broadcast_in_dim3A_18 = vector.broadcast %broadcast_in_dim3A_17 : f32 to vector<16xf32>
    %swap3A_19 = arith.constant 16 : index
    %swap3A_20 = tpu.vector_load %arg19[%swap3A_19] {strides = array<i32>} : memref<128xf32, #tpu.memory_space<vmem>>, vector<16xf32>,
    %swap3A_21 = vector.shape_cast %swap3A_20 : vector<16xf32> to vector<16xf32>
    %swap3A_22 = vector.shape_cast %broadcast_in_dim3A_18 : vector<16xf32> to vector<16xf32>
    tpu.vector_store %arg19[%swap3A_19], %swap3A_22 {strides = array<i32>} : memref<128xf32, #tpu.memory_space<vmem>>, vector<16xf32>,
    %broadcast_in_dim3A_23 = arith.constant 1.000000e+00 : f32
    %broadcast_in_dim3A_24 = vector.broadcast %broadcast_in_dim3A_23 : f32 to vector<16xf32>
    %swap3A_25 = arith.constant 32 : index
    %swap3A_26 = tpu.vector_load %arg19[%swap3A_25] {strides = array<i32>} : memref<128xf32, #tpu.memory_space<vmem>>, vector<16xf32>,
    %swap3A_27 = vector.shape_cast %swap3A_26 : vector<16xf32> to vector<16xf32>
    %swap3A_28 = vector.shape_cast %broadcast_in_dim3A_24 : vector<16xf32> to vector<16xf32>
    tpu.vector_store %arg19[%swap3A_25], %swap3A_28 {strides = array<i32>} : memref<128xf32, #tpu.memory_space<vmem>>, vector<16xf32>,
    %broadcast_in_dim3A_29 = arith.constant 1.000000e+00 : f32
    %broadcast_in_dim3A_30 = vector.broadcast %broadcast_in_dim3A_29 : f32 to vector<16xf32>
    %swap3A_31 = arith.constant 48 : index
    %swap3A_32 = tpu.vector_load %arg19[%swap3A_31] {strides = array<i32>} : memref<128xf32, #tpu.memory_space<vmem>>, vector<16xf32>,
    %swap3A_33 = vector.shape_cast %swap3A_32 : vector<16xf32> to vector<16xf32>
    %swap3A_34 = vector.shape_cast %broadcast_in_dim3A_30 : vector<16xf32> to vector<16xf32>
    tpu.vector_store %arg19[%swap3A_31], %swap3A_34 {strides = array<i32>} : memref<128xf32, #tpu.memory_space<vmem>>, vector<16xf32>,
    %broadcast_in_dim3A_35 = arith.constant 1.000000e+00 : f32
    %broadcast_in_dim3A_36 = vector.broadcast %broadcast_in_dim3A_35 : f32 to vector<16xf32>
    %swap3A_37 = arith.constant 64 : index
    %swap3A_38 = tpu.vector_load %arg19[%swap3A_37] {strides = array<i32>} : memref<128xf32, #tpu.memory_space<vmem>>, vector<16xf32>,
    %swap3A_39 = vector.shape_cast %swap3A_38 : vector<16xf32> to vector<16xf32>
    %swap3A_40 = vector.shape_cast %broadcast_in_dim3A_36 : vector<16xf32> to vector<16xf32>
    tpu.vector_store %arg19[%swap3A_37], %swap3A_40 {strides = array<i32>} : memref<128xf32, #tpu.memory_space<vmem>>, vector<16xf32>,
    %broadcast_in_dim3A_41 = arith.constant 1.000000e+00 : f32
    %broadcast_in_dim3A_42 = vector.broadcast %broadcast_in_dim3A_41 : f32 to vector<16xf32>
    %swap3A_43 = arith.constant 80 : index
    %swap3A_44 = tpu.vector_load %arg19[%swap3A_43] {strides = array<i32>} : memref<128xf32, #tpu.memory_space<vmem>>, vector<16xf32>,
    %swap3A_45 = vector.shape_cast %swap3A_44 : vector<16xf32> to vector<16xf32>
    %swap3A_46 = vector.shape_cast %broadcast_in_dim3A_42 : vector<16xf32> to vector<16xf32>
    tpu.vector_store %arg19[%swap3A_43], %swap3A_46 {strides = array<i32>} : memref<128xf32, #tpu.memory_space<vmem>>, vector<16xf32>,
    %broadcast_in_dim3A_47 = arith.constant 1.000000e+00 : f32
    %broadcast_in_dim3A_48 = vector.broadcast %broadcast_in_dim3A_47 : f32 to vector<16xf32>
    %swap3A_49 = arith.constant 96 : index
    %swap3A_50 = tpu.vector_load %arg19[%swap3A_49] {strides = array<i32>} : memref<128xf32, #tpu.memory_space<vmem>>, vector<16xf32>,
    %swap3A_51 = vector.shape_cast %swap3A_50 : vector<16xf32> to vector<16xf32>
    %swap3A_52 = vector.shape_cast %broadcast_in_dim3A_48 : vector<16xf32> to vector<16xf32>
    tpu.vector_store %arg19[%swap3A_49], %swap3A_52 {strides = array<i32>} : memref<128xf32, #tpu.memory_space<vmem>>, vector<16xf32>,
    %broadcast_in_dim3A_53 = arith.constant 1.000000e+00 : f32
    %broadcast_in_dim3A_54 = vector.broadcast %broadcast_in_dim3A_53 : f32 to vector<16xf32>
    %swap3A_55 = arith.constant 112 : index
    %swap3A_56 = tpu.vector_load %arg19[%swap3A_55] {strides = array<i32>} : memref<128xf32, #tpu.memory_space<vmem>>, vector<16xf32>,
    %swap3A_57 = vector.shape_cast %swap3A_56 : vector<16xf32> to vector<16xf32>
    %swap3A_58 = vector.shape_cast %broadcast_in_dim3A_54 : vector<16xf32> to vector<16xf32>
    tpu.vector_store %arg19[%swap3A_55], %swap3A_58 {strides = array<i32>} : memref<128xf32, #tpu.memory_space<vmem>>, vector<16xf32>,
    %barrier3A = arith.constant 0 : index
    tpu.barrier barrier_id(%barrier3A)
    %add3A_59 = arith.constant 0 : i32
    %add3A_60 = arith.addi %mul3A_2, %add3A_59 : i32
    %dma_start3A = tpu.memref_slice %arg3[%add3A_60] : memref<425984xi32, #tpu.memory_space<hbm>> -> memref<128xi32, #tpu.memory_space<hbm>>
    %dma_start3A_61 = tpu.memref_slice %arg3[%add3A_60] : memref<425984xi32, #tpu.memory_space<hbm>> -> memref<128xi32, #tpu.memory_space<hbm>>
    tpu.enqueue_dma source(%dma_start3A_61 : memref<128xi32, #tpu.memory_space<hbm>>) target(%arg10 : memref<128xi32, #tpu.memory_space<vmem>>) target_semaphore(%arg17 : memref<!tpu.dma_semaphore, #tpu.memory_space<semaphore_mem>>)
    %dma_wait3A = arith.constant 0 : i32
    %dma_wait3A_62 = tpu.memref_slice %arg3[%dma_wait3A] : memref<425984xi32, #tpu.memory_space<hbm>> -> memref<128xi32, #tpu.memory_space<hbm>>
    %dma_wait3A_63 = arith.constant 0 : i32
    %dma_wait3A_64 = tpu.memref_slice %arg3[%dma_wait3A_63] : memref<425984xi32, #tpu.memory_space<hbm>> -> memref<128xi32, #tpu.memory_space<hbm>>
    tpu.wait_dma2 semaphore(%arg17 : memref<!tpu.dma_semaphore, #tpu.memory_space<semaphore_mem>>) src(%dma_wait3A_64 : memref<128xi32, #tpu.memory_space<hbm>>) dst(%arg10 : memref<128xi32, #tpu.memory_space<vmem>>)
    %dma_start3A_65 = arith.constant 0 : i32
    %dma_start3A_66 = arith.constant 0 : i32
    %dma_start3A_67 = tpu.memref_slice %arg2[%dma_start3A_65, %dma_start3A_66] : memref<10000x128xf32, #tpu.memory_space<hbm>> -> memref<10000x128xf32, #tpu.memory_space<hbm>>
    tpu.enqueue_indirect_dma source(%dma_start3A_67 : memref<10000x128xf32, #tpu.memory_space<hbm>>) target(%arg12 : memref<128x128xf32, #tpu.memory_space<vmem>>) offsets(%arg10 : memref<128xi32, #tpu.memory_space<vmem>>) semaphore(%arg15 : memref<!tpu.dma_semaphore, #tpu.memory_space<semaphore_mem>>)
    %add3A_68 = arith.constant 128 : i32
    %add3A_69 = arith.addi %mul3A_2, %add3A_68 : i32
    %dma_start3A_70 = tpu.memref_slice %arg3[%add3A_69] : memref<425984xi32, #tpu.memory_space<hbm>> -> memref<128xi32, #tpu.memory_space<hbm>>
    %dma_start3A_71 = tpu.memref_slice %arg3[%add3A_69] : memref<425984xi32, #tpu.memory_space<hbm>> -> memref<128xi32, #tpu.memory_space<hbm>>
    tpu.enqueue_dma source(%dma_start3A_71 : memref<128xi32, #tpu.memory_space<hbm>>) target(%arg11 : memref<128xi32, #tpu.memory_space<vmem>>) target_semaphore(%arg18 : memref<!tpu.dma_semaphore, #tpu.memory_space<semaphore_mem>>)
    %dma_wait3A_72 = arith.constant 0 : i32
    %dma_wait3A_73 = tpu.memref_slice %arg3[%dma_wait3A_72] : memref<425984xi32, #tpu.memory_space<hbm>> -> memref<128xi32, #tpu.memory_space<hbm>>
    %dma_wait3A_74 = arith.constant 0 : i32
    %dma_wait3A_75 = tpu.memref_slice %arg3[%dma_wait3A_74] : memref<425984xi32, #tpu.memory_space<hbm>> -> memref<128xi32, #tpu.memory_space<hbm>>
    tpu.wait_dma2 semaphore(%arg18 : memref<!tpu.dma_semaphore, #tpu.memory_space<semaphore_mem>>) src(%dma_wait3A_75 : memref<128xi32, #tpu.memory_space<hbm>>) dst(%arg11 : memref<128xi32, #tpu.memory_space<vmem>>)
    %dma_start3A_76 = arith.constant 0 : i32
    %dma_start3A_77 = arith.constant 0 : i32
    %dma_start3A_78 = tpu.memref_slice %arg2[%dma_start3A_76, %dma_start3A_77] : memref<10000x128xf32, #tpu.memory_space<hbm>> -> memref<10000x128xf32, #tpu.memory_space<hbm>>
    tpu.enqueue_indirect_dma source(%dma_start3A_78 : memref<10000x128xf32, #tpu.memory_space<hbm>>) target(%arg13 : memref<128x128xf32, #tpu.memory_space<vmem>>) offsets(%arg11 : memref<128xi32, #tpu.memory_space<vmem>>) semaphore(%arg16 : memref<!tpu.dma_semaphore, #tpu.memory_space<semaphore_mem>>)
    %jit3A_79 = arith.constant 2 : i32
    %div3A = arith.divsi %select_n3A, %jit3A_79 : i32
    %sign3A = arith.constant 0 : i32
    %sign3A_80 = arith.cmpi sgt, %select_n3A, %sign3A : i32
    %sign3A_81 = arith.extui %sign3A_80 : i1 to i32
    %sign3A_82 = arith.constant 0 : i32
    %sign3A_83 = arith.cmpi slt, %select_n3A, %sign3A_82 : i32
    %sign3A_84 = arith.extui %sign3A_83 : i1 to i32
    %sign3A_85 = arith.subi %sign3A_81, %sign3A_84 : i32
    %sign3A_86 = arith.constant 0 : i32
    %sign3A_87 = arith.cmpi sgt, %jit3A_79, %sign3A_86 : i32
    %sign3A_88 = arith.extui %sign3A_87 : i1 to i32
    %sign3A_89 = arith.constant 0 : i32
    %sign3A_90 = arith.cmpi slt, %jit3A_79, %sign3A_89 : i32
    %sign3A_91 = arith.extui %sign3A_90 : i1 to i32
    %sign3A_92 = arith.subi %sign3A_88, %sign3A_91 : i32
    %ne3A = arith.cmpi ne, %sign3A_85, %sign3A_92 : i32
    %rem3A = arith.remsi %select_n3A, %jit3A_79 : i32
    %ne3A_93 = arith.constant 0 : i32
    %ne3A_94 = arith.cmpi ne, %rem3A, %ne3A_93 : i32
    %and3A = arith.andi %ne3A, %ne3A_94 : i1
    %sub3A = arith.constant 1 : i32
    %sub3A_95 = arith.subi %div3A, %sub3A : i32
    %select_n3A_96 = arith.select %and3A, %sub3A_95, %div3A : i32
    %while3A = arith.constant 0 : i32
    %while3A_97 = arith.constant 0 : i32
    %while3A_98 = arith.subi %select_n3A_96, %while3A_97 : i32
    %while3A_99 = arith.addi %while3A_97, %while3A_98 : i32
    %while3A_100 = arith.constant 1 : i32
    %while3A_101 = arith.divsi %while3A_98, %while3A_100 : i32
    %while3A_102 = arith.muli %while3A_101, %while3A_100 : i32
    %while3A_103 = arith.addi %while3A_97, %while3A_102 : i32
    %while3A_104 = arith.constant 1 : i32
    scf.for %while3A_118 = %while3A_97 to %while3A_103 step %while3A_104  : i32 {
      %mul3A_119 = arith.constant 2 : i32
      %mul3A_120 = arith.muli %mul3A_119, %while3A_118 : i32
      %dma_wait3A_121 = arith.constant 0 : i32
      %dma_wait3A_122 = arith.constant 0 : i32
      %dma_wait3A_123 = tpu.memref_slice %arg2[%dma_wait3A_121, %dma_wait3A_122] : memref<10000x128xf32, #tpu.memory_space<hbm>> -> memref<10000x128xf32, #tpu.memory_space<hbm>>
      tpu.wait_indirect_dma semaphore(%arg15 : memref<!tpu.dma_semaphore, #tpu.memory_space<semaphore_mem>>) src(%dma_wait3A_123 : memref<10000x128xf32, #tpu.memory_space<hbm>>) dst(%arg12 : memref<128x128xf32, #tpu.memory_space<vmem>>)
      "tpu.region"() ({
        %run_scoped3A = tpu.sem_alloc : memref<!tpu.dma_semaphore, #tpu.memory_space<semaphore_mem>>
        %dma_start3A_138 = arith.constant 0 : i32
        %dma_start3A_139 = tpu.memref_slice %arg9[%mul3A_120, %dma_start3A_138] : memref<104x128xi32, #tpu.memory_space<vmem>> -> memref<1x128xi32, #tpu.memory_space<vmem>>
        %dma_start3A_140 = tpu.memref_squeeze %dma_start3A_139 : memref<1x128xi32, #tpu.memory_space<vmem>> -> memref<128xi32, #tpu.memory_space<vmem>>
        %dma_start3A_141 = arith.constant 0 : i32
        %dma_start3A_142 = arith.constant 0 : i32
        %dma_start3A_143 = tpu.memref_slice %arg14[%dma_start3A_141, %dma_start3A_142] : memref<10112x128xf32, #tpu.memory_space<vmem_shared>> -> memref<10112x128xf32, #tpu.memory_space<vmem_shared>>
        tpu.enqueue_indirect_dma source(%arg12 : memref<128x128xf32, #tpu.memory_space<vmem>>) target(%dma_start3A_143 : memref<10112x128xf32, #tpu.memory_space<vmem_shared>>) offsets(%dma_start3A_140 : memref<128xi32, #tpu.memory_space<vmem>>) semaphore(%run_scoped3A : memref<!tpu.dma_semaphore, #tpu.memory_space<semaphore_mem>>) {add = true}
        %dma_wait3A_144 = arith.constant 0 : i32
        %dma_wait3A_145 = tpu.memref_slice %arg9[%mul3A_120, %dma_wait3A_144] : memref<104x128xi32, #tpu.memory_space<vmem>> -> memref<1x128xi32, #tpu.memory_space<vmem>>
        %dma_wait3A_146 = tpu.memref_squeeze %dma_wait3A_145 : memref<1x128xi32, #tpu.memory_space<vmem>> -> memref<128xi32, #tpu.memory_space<vmem>>
        %dma_wait3A_147 = arith.constant 0 : i32
        %dma_wait3A_148 = arith.constant 0 : i32
        %dma_wait3A_149 = tpu.memref_slice %arg14[%dma_wait3A_147, %dma_wait3A_148] : memref<10112x128xf32, #tpu.memory_space<vmem_shared>> -> memref<10112x128xf32, #tpu.memory_space<vmem_shared>>
        tpu.wait_indirect_dma semaphore(%run_scoped3A : memref<!tpu.dma_semaphore, #tpu.memory_space<semaphore_mem>>) src(%arg12 : memref<128x128xf32, #tpu.memory_space<vmem>>) dst(%dma_wait3A_149 : memref<10112x128xf32, #tpu.memory_space<vmem_shared>>)
        tpu.yield
      }) : () -> ()
      "tpu.region"() ({
        %run_scoped3A = tpu.sem_alloc : memref<!tpu.dma_semaphore, #tpu.memory_space<semaphore_mem>>
        %dma_start3A_138 = arith.constant 0 : i32
        %dma_start3A_139 = tpu.memref_slice %arg9[%mul3A_120, %dma_start3A_138] : memref<104x128xi32, #tpu.memory_space<vmem>> -> memref<1x128xi32, #tpu.memory_space<vmem>>
        %dma_start3A_140 = tpu.memref_squeeze %dma_start3A_139 : memref<1x128xi32, #tpu.memory_space<vmem>> -> memref<128xi32, #tpu.memory_space<vmem>>
        %dma_start3A_141 = arith.constant 0 : i32
        %dma_start3A_142 = tpu.memref_slice %arg20[%dma_start3A_141] : memref<10112xf32, #tpu.memory_space<vmem_shared>> -> memref<10112xf32, #tpu.memory_space<vmem_shared>>
        tpu.enqueue_indirect_dma source(%arg19 : memref<128xf32, #tpu.memory_space<vmem>>) target(%dma_start3A_142 : memref<10112xf32, #tpu.memory_space<vmem_shared>>) offsets(%dma_start3A_140 : memref<128xi32, #tpu.memory_space<vmem>>) semaphore(%run_scoped3A : memref<!tpu.dma_semaphore, #tpu.memory_space<semaphore_mem>>) {add = true}
        %dma_wait3A_143 = arith.constant 0 : i32
        %dma_wait3A_144 = tpu.memref_slice %arg9[%mul3A_120, %dma_wait3A_143] : memref<104x128xi32, #tpu.memory_space<vmem>> -> memref<1x128xi32, #tpu.memory_space<vmem>>
        %dma_wait3A_145 = tpu.memref_squeeze %dma_wait3A_144 : memref<1x128xi32, #tpu.memory_space<vmem>> -> memref<128xi32, #tpu.memory_space<vmem>>
        %dma_wait3A_146 = arith.constant 0 : i32
        %dma_wait3A_147 = tpu.memref_slice %arg20[%dma_wait3A_146] : memref<10112xf32, #tpu.memory_space<vmem_shared>> -> memref<10112xf32, #tpu.memory_space<vmem_shared>>
        tpu.wait_indirect_dma semaphore(%run_scoped3A : memref<!tpu.dma_semaphore, #tpu.memory_space<semaphore_mem>>) src(%arg19 : memref<128xf32, #tpu.memory_space<vmem>>) dst(%dma_wait3A_147 : memref<10112xf32, #tpu.memory_space<vmem_shared>>)
        tpu.yield
      }) : () -> ()
      %add3A_124 = arith.constant 2 : i32
      %add3A_125 = arith.addi %mul3A_120, %add3A_124 : i32
      %lt3A = arith.cmpi slt, %add3A_125, %select_n3A : i32
      %convert_element_type3A = arith.extui %lt3A : i1 to i32
      %cond3A = arith.constant 0 : i32
      %cond3A_126 = arith.cmpi ne, %convert_element_type3A, %cond3A : i32
      scf.if %cond3A_126 {
        %add3A_138 = arith.constant 2 : i32
        %add3A_139 = arith.addi %mul3A_120, %add3A_138 : i32
        %mul3A_140 = arith.constant 128 : i32
        %mul3A_141 = arith.muli %add3A_139, %mul3A_140 : i32
        %add3A_142 = arith.addi %mul3A_2, %mul3A_141 : i32
        %dma_start3A_143 = tpu.memref_slice %arg3[%add3A_142] : memref<425984xi32, #tpu.memory_space<hbm>> -> memref<128xi32, #tpu.memory_space<hbm>>
        %dma_start3A_144 = tpu.memref_slice %arg3[%add3A_142] : memref<425984xi32, #tpu.memory_space<hbm>> -> memref<128xi32, #tpu.memory_space<hbm>>
        tpu.enqueue_dma source(%dma_start3A_144 : memref<128xi32, #tpu.memory_space<hbm>>) target(%arg10 : memref<128xi32, #tpu.memory_space<vmem>>) target_semaphore(%arg17 : memref<!tpu.dma_semaphore, #tpu.memory_space<semaphore_mem>>)
        %dma_wait3A_145 = arith.constant 0 : i32
        %dma_wait3A_146 = tpu.memref_slice %arg3[%dma_wait3A_145] : memref<425984xi32, #tpu.memory_space<hbm>> -> memref<128xi32, #tpu.memory_space<hbm>>
        %dma_wait3A_147 = arith.constant 0 : i32
        %dma_wait3A_148 = tpu.memref_slice %arg3[%dma_wait3A_147] : memref<425984xi32, #tpu.memory_space<hbm>> -> memref<128xi32, #tpu.memory_space<hbm>>
        tpu.wait_dma2 semaphore(%arg17 : memref<!tpu.dma_semaphore, #tpu.memory_space<semaphore_mem>>) src(%dma_wait3A_148 : memref<128xi32, #tpu.memory_space<hbm>>) dst(%arg10 : memref<128xi32, #tpu.memory_space<vmem>>)
        %dma_start3A_149 = arith.constant 0 : i32
        %dma_start3A_150 = arith.constant 0 : i32
        %dma_start3A_151 = tpu.memref_slice %arg2[%dma_start3A_149, %dma_start3A_150] : memref<10000x128xf32, #tpu.memory_space<hbm>> -> memref<10000x128xf32, #tpu.memory_space<hbm>>
        tpu.enqueue_indirect_dma source(%dma_start3A_151 : memref<10000x128xf32, #tpu.memory_space<hbm>>) target(%arg12 : memref<128x128xf32, #tpu.memory_space<vmem>>) offsets(%arg10 : memref<128xi32, #tpu.memory_space<vmem>>) semaphore(%arg15 : memref<!tpu.dma_semaphore, #tpu.memory_space<semaphore_mem>>)
      } else {
      }
      %dma_wait3A_127 = arith.constant 0 : i32
      %dma_wait3A_128 = arith.constant 0 : i32
      %dma_wait3A_129 = tpu.memref_slice %arg2[%dma_wait3A_127, %dma_wait3A_128] : memref<10000x128xf32, #tpu.memory_space<hbm>> -> memref<10000x128xf32, #tpu.memory_space<hbm>>
      tpu.wait_indirect_dma semaphore(%arg16 : memref<!tpu.dma_semaphore, #tpu.memory_space<semaphore_mem>>) src(%dma_wait3A_129 : memref<10000x128xf32, #tpu.memory_space<hbm>>) dst(%arg13 : memref<128x128xf32, #tpu.memory_space<vmem>>)
      %add3A_130 = arith.constant 1 : i32
      %add3A_131 = arith.addi %mul3A_120, %add3A_130 : i32
      "tpu.region"() ({
        %run_scoped3A = tpu.sem_alloc : memref<!tpu.dma_semaphore, #tpu.memory_space<semaphore_mem>>
        %dma_start3A_138 = arith.constant 0 : i32
        %dma_start3A_139 = tpu.memref_slice %arg9[%add3A_131, %dma_start3A_138] : memref<104x128xi32, #tpu.memory_space<vmem>> -> memref<1x128xi32, #tpu.memory_space<vmem>>
        %dma_start3A_140 = tpu.memref_squeeze %dma_start3A_139 : memref<1x128xi32, #tpu.memory_space<vmem>> -> memref<128xi32, #tpu.memory_space<vmem>>
        %dma_start3A_141 = arith.constant 0 : i32
        %dma_start3A_142 = arith.constant 0 : i32
        %dma_start3A_143 = tpu.memref_slice %arg14[%dma_start3A_141, %dma_start3A_142] : memref<10112x128xf32, #tpu.memory_space<vmem_shared>> -> memref<10112x128xf32, #tpu.memory_space<vmem_shared>>
        tpu.enqueue_indirect_dma source(%arg13 : memref<128x128xf32, #tpu.memory_space<vmem>>) target(%dma_start3A_143 : memref<10112x128xf32, #tpu.memory_space<vmem_shared>>) offsets(%dma_start3A_140 : memref<128xi32, #tpu.memory_space<vmem>>) semaphore(%run_scoped3A : memref<!tpu.dma_semaphore, #tpu.memory_space<semaphore_mem>>) {add = true}
        %dma_wait3A_144 = arith.constant 0 : i32
        %dma_wait3A_145 = tpu.memref_slice %arg9[%add3A_131, %dma_wait3A_144] : memref<104x128xi32, #tpu.memory_space<vmem>> -> memref<1x128xi32, #tpu.memory_space<vmem>>
        %dma_wait3A_146 = tpu.memref_squeeze %dma_wait3A_145 : memref<1x128xi32, #tpu.memory_space<vmem>> -> memref<128xi32, #tpu.memory_space<vmem>>
        %dma_wait3A_147 = arith.constant 0 : i32
        %dma_wait3A_148 = arith.constant 0 : i32
        %dma_wait3A_149 = tpu.memref_slice %arg14[%dma_wait3A_147, %dma_wait3A_148] : memref<10112x128xf32, #tpu.memory_space<vmem_shared>> -> memref<10112x128xf32, #tpu.memory_space<vmem_shared>>
        tpu.wait_indirect_dma semaphore(%run_scoped3A : memref<!tpu.dma_semaphore, #tpu.memory_space<semaphore_mem>>) src(%arg13 : memref<128x128xf32, #tpu.memory_space<vmem>>) dst(%dma_wait3A_149 : memref<10112x128xf32, #tpu.memory_space<vmem_shared>>)
        tpu.yield
      }) : () -> ()
      "tpu.region"() ({
        %run_scoped3A = tpu.sem_alloc : memref<!tpu.dma_semaphore, #tpu.memory_space<semaphore_mem>>
        %dma_start3A_138 = arith.constant 0 : i32
        %dma_start3A_139 = tpu.memref_slice %arg9[%add3A_131, %dma_start3A_138] : memref<104x128xi32, #tpu.memory_space<vmem>> -> memref<1x128xi32, #tpu.memory_space<vmem>>
        %dma_start3A_140 = tpu.memref_squeeze %dma_start3A_139 : memref<1x128xi32, #tpu.memory_space<vmem>> -> memref<128xi32, #tpu.memory_space<vmem>>
        %dma_start3A_141 = arith.constant 0 : i32
        %dma_start3A_142 = tpu.memref_slice %arg20[%dma_start3A_141] : memref<10112xf32, #tpu.memory_space<vmem_shared>> -> memref<10112xf32, #tpu.memory_space<vmem_shared>>
        tpu.enqueue_indirect_dma source(%arg19 : memref<128xf32, #tpu.memory_space<vmem>>) target(%dma_start3A_142 : memref<10112xf32, #tpu.memory_space<vmem_shared>>) offsets(%dma_start3A_140 : memref<128xi32, #tpu.memory_space<vmem>>) semaphore(%run_scoped3A : memref<!tpu.dma_semaphore, #tpu.memory_space<semaphore_mem>>) {add = true}
        %dma_wait3A_143 = arith.constant 0 : i32
        %dma_wait3A_144 = tpu.memref_slice %arg9[%add3A_131, %dma_wait3A_143] : memref<104x128xi32, #tpu.memory_space<vmem>> -> memref<1x128xi32, #tpu.memory_space<vmem>>
        %dma_wait3A_145 = tpu.memref_squeeze %dma_wait3A_144 : memref<1x128xi32, #tpu.memory_space<vmem>> -> memref<128xi32, #tpu.memory_space<vmem>>
        %dma_wait3A_146 = arith.constant 0 : i32
        %dma_wait3A_147 = tpu.memref_slice %arg20[%dma_wait3A_146] : memref<10112xf32, #tpu.memory_space<vmem_shared>> -> memref<10112xf32, #tpu.memory_space<vmem_shared>>
        tpu.wait_indirect_dma semaphore(%run_scoped3A : memref<!tpu.dma_semaphore, #tpu.memory_space<semaphore_mem>>) src(%arg19 : memref<128xf32, #tpu.memory_space<vmem>>) dst(%dma_wait3A_147 : memref<10112xf32, #tpu.memory_space<vmem_shared>>)
        tpu.yield
      }) : () -> ()
      %add3A_132 = arith.constant 3 : i32
      %add3A_133 = arith.addi %mul3A_120, %add3A_132 : i32
      %lt3A_134 = arith.cmpi slt, %add3A_133, %select_n3A : i32
      %convert_element_type3A_135 = arith.extui %lt3A_134 : i1 to i32
      %cond3A_136 = arith.constant 0 : i32
      %cond3A_137 = arith.cmpi ne, %convert_element_type3A_135, %cond3A_136 : i32
      scf.if %cond3A_137 {
        %add3A_138 = arith.constant 3 : i32
        %add3A_139 = arith.addi %mul3A_120, %add3A_138 : i32
        %mul3A_140 = arith.constant 128 : i32
        %mul3A_141 = arith.muli %add3A_139, %mul3A_140 : i32
        %add3A_142 = arith.addi %mul3A_2, %mul3A_141 : i32
        %dma_start3A_143 = tpu.memref_slice %arg3[%add3A_142] : memref<425984xi32, #tpu.memory_space<hbm>> -> memref<128xi32, #tpu.memory_space<hbm>>
        %dma_start3A_144 = tpu.memref_slice %arg3[%add3A_142] : memref<425984xi32, #tpu.memory_space<hbm>> -> memref<128xi32, #tpu.memory_space<hbm>>
        tpu.enqueue_dma source(%dma_start3A_144 : memref<128xi32, #tpu.memory_space<hbm>>) target(%arg11 : memref<128xi32, #tpu.memory_space<vmem>>) target_semaphore(%arg18 : memref<!tpu.dma_semaphore, #tpu.memory_space<semaphore_mem>>)
        %dma_wait3A_145 = arith.constant 0 : i32
        %dma_wait3A_146 = tpu.memref_slice %arg3[%dma_wait3A_145] : memref<425984xi32, #tpu.memory_space<hbm>> -> memref<128xi32, #tpu.memory_space<hbm>>
        %dma_wait3A_147 = arith.constant 0 : i32
        %dma_wait3A_148 = tpu.memref_slice %arg3[%dma_wait3A_147] : memref<425984xi32, #tpu.memory_space<hbm>> -> memref<128xi32, #tpu.memory_space<hbm>>
        tpu.wait_dma2 semaphore(%arg18 : memref<!tpu.dma_semaphore, #tpu.memory_space<semaphore_mem>>) src(%dma_wait3A_148 : memref<128xi32, #tpu.memory_space<hbm>>) dst(%arg11 : memref<128xi32, #tpu.memory_space<vmem>>)
        %dma_start3A_149 = arith.constant 0 : i32
        %dma_start3A_150 = arith.constant 0 : i32
        %dma_start3A_151 = tpu.memref_slice %arg2[%dma_start3A_149, %dma_start3A_150] : memref<10000x128xf32, #tpu.memory_space<hbm>> -> memref<10000x128xf32, #tpu.memory_space<hbm>>
        tpu.enqueue_indirect_dma source(%dma_start3A_151 : memref<10000x128xf32, #tpu.memory_space<hbm>>) target(%arg13 : memref<128x128xf32, #tpu.memory_space<vmem>>) offsets(%arg11 : memref<128xi32, #tpu.memory_space<vmem>>) semaphore(%arg16 : memref<!tpu.dma_semaphore, #tpu.memory_space<semaphore_mem>>)
      } else {
      }
    }
    %while3A_105 = arith.constant 1 : i32
    scf.for %while3A_118 = %while3A_103 to %while3A_99 step %while3A_105  : i32 {
      %mul3A_119 = arith.constant 2 : i32
      %mul3A_120 = arith.muli %mul3A_119, %while3A_118 : i32
      %dma_wait3A_121 = arith.constant 0 : i32
      %dma_wait3A_122 = arith.constant 0 : i32
      %dma_wait3A_123 = tpu.memref_slice %arg2[%dma_wait3A_121, %dma_wait3A_122] : memref<10000x128xf32, #tpu.memory_space<hbm>> -> memref<10000x128xf32, #tpu.memory_space<hbm>>
      tpu.wait_indirect_dma semaphore(%arg15 : memref<!tpu.dma_semaphore, #tpu.memory_space<semaphore_mem>>) src(%dma_wait3A_123 : memref<10000x128xf32, #tpu.memory_space<hbm>>) dst(%arg12 : memref<128x128xf32, #tpu.memory_space<vmem>>)
      "tpu.region"() ({
        %run_scoped3A = tpu.sem_alloc : memref<!tpu.dma_semaphore, #tpu.memory_space<semaphore_mem>>
        %dma_start3A_138 = arith.constant 0 : i32
        %dma_start3A_139 = tpu.memref_slice %arg9[%mul3A_120, %dma_start3A_138] : memref<104x128xi32, #tpu.memory_space<vmem>> -> memref<1x128xi32, #tpu.memory_space<vmem>>
        %dma_start3A_140 = tpu.memref_squeeze %dma_start3A_139 : memref<1x128xi32, #tpu.memory_space<vmem>> -> memref<128xi32, #tpu.memory_space<vmem>>
        %dma_start3A_141 = arith.constant 0 : i32
        %dma_start3A_142 = arith.constant 0 : i32
        %dma_start3A_143 = tpu.memref_slice %arg14[%dma_start3A_141, %dma_start3A_142] : memref<10112x128xf32, #tpu.memory_space<vmem_shared>> -> memref<10112x128xf32, #tpu.memory_space<vmem_shared>>
        tpu.enqueue_indirect_dma source(%arg12 : memref<128x128xf32, #tpu.memory_space<vmem>>) target(%dma_start3A_143 : memref<10112x128xf32, #tpu.memory_space<vmem_shared>>) offsets(%dma_start3A_140 : memref<128xi32, #tpu.memory_space<vmem>>) semaphore(%run_scoped3A : memref<!tpu.dma_semaphore, #tpu.memory_space<semaphore_mem>>) {add = true}
        %dma_wait3A_144 = arith.constant 0 : i32
        %dma_wait3A_145 = tpu.memref_slice %arg9[%mul3A_120, %dma_wait3A_144] : memref<104x128xi32, #tpu.memory_space<vmem>> -> memref<1x128xi32, #tpu.memory_space<vmem>>
        %dma_wait3A_146 = tpu.memref_squeeze %dma_wait3A_145 : memref<1x128xi32, #tpu.memory_space<vmem>> -> memref<128xi32, #tpu.memory_space<vmem>>
        %dma_wait3A_147 = arith.constant 0 : i32
        %dma_wait3A_148 = arith.constant 0 : i32
        %dma_wait3A_149 = tpu.memref_slice %arg14[%dma_wait3A_147, %dma_wait3A_148] : memref<10112x128xf32, #tpu.memory_space<vmem_shared>> -> memref<10112x128xf32, #tpu.memory_space<vmem_shared>>
        tpu.wait_indirect_dma semaphore(%run_scoped3A : memref<!tpu.dma_semaphore, #tpu.memory_space<semaphore_mem>>) src(%arg12 : memref<128x128xf32, #tpu.memory_space<vmem>>) dst(%dma_wait3A_149 : memref<10112x128xf32, #tpu.memory_space<vmem_shared>>)
        tpu.yield
      }) : () -> ()
      "tpu.region"() ({
        %run_scoped3A = tpu.sem_alloc : memref<!tpu.dma_semaphore, #tpu.memory_space<semaphore_mem>>
        %dma_start3A_138 = arith.constant 0 : i32
        %dma_start3A_139 = tpu.memref_slice %arg9[%mul3A_120, %dma_start3A_138] : memref<104x128xi32, #tpu.memory_space<vmem>> -> memref<1x128xi32, #tpu.memory_space<vmem>>
        %dma_start3A_140 = tpu.memref_squeeze %dma_start3A_139 : memref<1x128xi32, #tpu.memory_space<vmem>> -> memref<128xi32, #tpu.memory_space<vmem>>
        %dma_start3A_141 = arith.constant 0 : i32
        %dma_start3A_142 = tpu.memref_slice %arg20[%dma_start3A_141] : memref<10112xf32, #tpu.memory_space<vmem_shared>> -> memref<10112xf32, #tpu.memory_space<vmem_shared>>
        tpu.enqueue_indirect_dma source(%arg19 : memref<128xf32, #tpu.memory_space<vmem>>) target(%dma_start3A_142 : memref<10112xf32, #tpu.memory_space<vmem_shared>>) offsets(%dma_start3A_140 : memref<128xi32, #tpu.memory_space<vmem>>) semaphore(%run_scoped3A : memref<!tpu.dma_semaphore, #tpu.memory_space<semaphore_mem>>) {add = true}
        %dma_wait3A_143 = arith.constant 0 : i32
        %dma_wait3A_144 = tpu.memref_slice %arg9[%mul3A_120, %dma_wait3A_143] : memref<104x128xi32, #tpu.memory_space<vmem>> -> memref<1x128xi32, #tpu.memory_space<vmem>>
        %dma_wait3A_145 = tpu.memref_squeeze %dma_wait3A_144 : memref<1x128xi32, #tpu.memory_space<vmem>> -> memref<128xi32, #tpu.memory_space<vmem>>
        %dma_wait3A_146 = arith.constant 0 : i32
        %dma_wait3A_147 = tpu.memref_slice %arg20[%dma_wait3A_146] : memref<10112xf32, #tpu.memory_space<vmem_shared>> -> memref<10112xf32, #tpu.memory_space<vmem_shared>>
        tpu.wait_indirect_dma semaphore(%run_scoped3A : memref<!tpu.dma_semaphore, #tpu.memory_space<semaphore_mem>>) src(%arg19 : memref<128xf32, #tpu.memory_space<vmem>>) dst(%dma_wait3A_147 : memref<10112xf32, #tpu.memory_space<vmem_shared>>)
        tpu.yield
      }) : () -> ()
      %add3A_124 = arith.constant 2 : i32
      %add3A_125 = arith.addi %mul3A_120, %add3A_124 : i32
      %lt3A = arith.cmpi slt, %add3A_125, %select_n3A : i32
      %convert_element_type3A = arith.extui %lt3A : i1 to i32
      %cond3A = arith.constant 0 : i32
      %cond3A_126 = arith.cmpi ne, %convert_element_type3A, %cond3A : i32
      scf.if %cond3A_126 {
        %add3A_138 = arith.constant 2 : i32
        %add3A_139 = arith.addi %mul3A_120, %add3A_138 : i32
        %mul3A_140 = arith.constant 128 : i32
        %mul3A_141 = arith.muli %add3A_139, %mul3A_140 : i32
        %add3A_142 = arith.addi %mul3A_2, %mul3A_141 : i32
        %dma_start3A_143 = tpu.memref_slice %arg3[%add3A_142] : memref<425984xi32, #tpu.memory_space<hbm>> -> memref<128xi32, #tpu.memory_space<hbm>>
        %dma_start3A_144 = tpu.memref_slice %arg3[%add3A_142] : memref<425984xi32, #tpu.memory_space<hbm>> -> memref<128xi32, #tpu.memory_space<hbm>>
        tpu.enqueue_dma source(%dma_start3A_144 : memref<128xi32, #tpu.memory_space<hbm>>) target(%arg10 : memref<128xi32, #tpu.memory_space<vmem>>) target_semaphore(%arg17 : memref<!tpu.dma_semaphore, #tpu.memory_space<semaphore_mem>>)
        %dma_wait3A_145 = arith.constant 0 : i32
        %dma_wait3A_146 = tpu.memref_slice %arg3[%dma_wait3A_145] : memref<425984xi32, #tpu.memory_space<hbm>> -> memref<128xi32, #tpu.memory_space<hbm>>
        %dma_wait3A_147 = arith.constant 0 : i32
        %dma_wait3A_148 = tpu.memref_slice %arg3[%dma_wait3A_147] : memref<425984xi32, #tpu.memory_space<hbm>> -> memref<128xi32, #tpu.memory_space<hbm>>
        tpu.wait_dma2 semaphore(%arg17 : memref<!tpu.dma_semaphore, #tpu.memory_space<semaphore_mem>>) src(%dma_wait3A_148 : memref<128xi32, #tpu.memory_space<hbm>>) dst(%arg10 : memref<128xi32, #tpu.memory_space<vmem>>)
        %dma_start3A_149 = arith.constant 0 : i32
        %dma_start3A_150 = arith.constant 0 : i32
        %dma_start3A_151 = tpu.memref_slice %arg2[%dma_start3A_149, %dma_start3A_150] : memref<10000x128xf32, #tpu.memory_space<hbm>> -> memref<10000x128xf32, #tpu.memory_space<hbm>>
        tpu.enqueue_indirect_dma source(%dma_start3A_151 : memref<10000x128xf32, #tpu.memory_space<hbm>>) target(%arg12 : memref<128x128xf32, #tpu.memory_space<vmem>>) offsets(%arg10 : memref<128xi32, #tpu.memory_space<vmem>>) semaphore(%arg15 : memref<!tpu.dma_semaphore, #tpu.memory_space<semaphore_mem>>)
      } else {
      }
      %dma_wait3A_127 = arith.constant 0 : i32
      %dma_wait3A_128 = arith.constant 0 : i32
      %dma_wait3A_129 = tpu.memref_slice %arg2[%dma_wait3A_127, %dma_wait3A_128] : memref<10000x128xf32, #tpu.memory_space<hbm>> -> memref<10000x128xf32, #tpu.memory_space<hbm>>
      tpu.wait_indirect_dma semaphore(%arg16 : memref<!tpu.dma_semaphore, #tpu.memory_space<semaphore_mem>>) src(%dma_wait3A_129 : memref<10000x128xf32, #tpu.memory_space<hbm>>) dst(%arg13 : memref<128x128xf32, #tpu.memory_space<vmem>>)
      %add3A_130 = arith.constant 1 : i32
      %add3A_131 = arith.addi %mul3A_120, %add3A_130 : i32
      "tpu.region"() ({
        %run_scoped3A = tpu.sem_alloc : memref<!tpu.dma_semaphore, #tpu.memory_space<semaphore_mem>>
        %dma_start3A_138 = arith.constant 0 : i32
        %dma_start3A_139 = tpu.memref_slice %arg9[%add3A_131, %dma_start3A_138] : memref<104x128xi32, #tpu.memory_space<vmem>> -> memref<1x128xi32, #tpu.memory_space<vmem>>
        %dma_start3A_140 = tpu.memref_squeeze %dma_start3A_139 : memref<1x128xi32, #tpu.memory_space<vmem>> -> memref<128xi32, #tpu.memory_space<vmem>>
        %dma_start3A_141 = arith.constant 0 : i32
        %dma_start3A_142 = arith.constant 0 : i32
        %dma_start3A_143 = tpu.memref_slice %arg14[%dma_start3A_141, %dma_start3A_142] : memref<10112x128xf32, #tpu.memory_space<vmem_shared>> -> memref<10112x128xf32, #tpu.memory_space<vmem_shared>>
        tpu.enqueue_indirect_dma source(%arg13 : memref<128x128xf32, #tpu.memory_space<vmem>>) target(%dma_start3A_143 : memref<10112x128xf32, #tpu.memory_space<vmem_shared>>) offsets(%dma_start3A_140 : memref<128xi32, #tpu.memory_space<vmem>>) semaphore(%run_scoped3A : memref<!tpu.dma_semaphore, #tpu.memory_space<semaphore_mem>>) {add = true}
        %dma_wait3A_144 = arith.constant 0 : i32
        %dma_wait3A_145 = tpu.memref_slice %arg9[%add3A_131, %dma_wait3A_144] : memref<104x128xi32, #tpu.memory_space<vmem>> -> memref<1x128xi32, #tpu.memory_space<vmem>>
        %dma_wait3A_146 = tpu.memref_squeeze %dma_wait3A_145 : memref<1x128xi32, #tpu.memory_space<vmem>> -> memref<128xi32, #tpu.memory_space<vmem>>
        %dma_wait3A_147 = arith.constant 0 : i32
        %dma_wait3A_148 = arith.constant 0 : i32
        %dma_wait3A_149 = tpu.memref_slice %arg14[%dma_wait3A_147, %dma_wait3A_148] : memref<10112x128xf32, #tpu.memory_space<vmem_shared>> -> memref<10112x128xf32, #tpu.memory_space<vmem_shared>>
        tpu.wait_indirect_dma semaphore(%run_scoped3A : memref<!tpu.dma_semaphore, #tpu.memory_space<semaphore_mem>>) src(%arg13 : memref<128x128xf32, #tpu.memory_space<vmem>>) dst(%dma_wait3A_149 : memref<10112x128xf32, #tpu.memory_space<vmem_shared>>)
        tpu.yield
      }) : () -> ()
      "tpu.region"() ({
        %run_scoped3A = tpu.sem_alloc : memref<!tpu.dma_semaphore, #tpu.memory_space<semaphore_mem>>
        %dma_start3A_138 = arith.constant 0 : i32
        %dma_start3A_139 = tpu.memref_slice %arg9[%add3A_131, %dma_start3A_138] : memref<104x128xi32, #tpu.memory_space<vmem>> -> memref<1x128xi32, #tpu.memory_space<vmem>>
        %dma_start3A_140 = tpu.memref_squeeze %dma_start3A_139 : memref<1x128xi32, #tpu.memory_space<vmem>> -> memref<128xi32, #tpu.memory_space<vmem>>
        %dma_start3A_141 = arith.constant 0 : i32
        %dma_start3A_142 = tpu.memref_slice %arg20[%dma_start3A_141] : memref<10112xf32, #tpu.memory_space<vmem_shared>> -> memref<10112xf32, #tpu.memory_space<vmem_shared>>
        tpu.enqueue_indirect_dma source(%arg19 : memref<128xf32, #tpu.memory_space<vmem>>) target(%dma_start3A_142 : memref<10112xf32, #tpu.memory_space<vmem_shared>>) offsets(%dma_start3A_140 : memref<128xi32, #tpu.memory_space<vmem>>) semaphore(%run_scoped3A : memref<!tpu.dma_semaphore, #tpu.memory_space<semaphore_mem>>) {add = true}
        %dma_wait3A_143 = arith.constant 0 : i32
        %dma_wait3A_144 = tpu.memref_slice %arg9[%add3A_131, %dma_wait3A_143] : memref<104x128xi32, #tpu.memory_space<vmem>> -> memref<1x128xi32, #tpu.memory_space<vmem>>
        %dma_wait3A_145 = tpu.memref_squeeze %dma_wait3A_144 : memref<1x128xi32, #tpu.memory_space<vmem>> -> memref<128xi32, #tpu.memory_space<vmem>>
        %dma_wait3A_146 = arith.constant 0 : i32
        %dma_wait3A_147 = tpu.memref_slice %arg20[%dma_wait3A_146] : memref<10112xf32, #tpu.memory_space<vmem_shared>> -> memref<10112xf32, #tpu.memory_space<vmem_shared>>
        tpu.wait_indirect_dma semaphore(%run_scoped3A : memref<!tpu.dma_semaphore, #tpu.memory_space<semaphore_mem>>) src(%arg19 : memref<128xf32, #tpu.memory_space<vmem>>) dst(%dma_wait3A_147 : memref<10112xf32, #tpu.memory_space<vmem_shared>>)
        tpu.yield
      }) : () -> ()
      %add3A_132 = arith.constant 3 : i32
      %add3A_133 = arith.addi %mul3A_120, %add3A_132 : i32
      %lt3A_134 = arith.cmpi slt, %add3A_133, %select_n3A : i32
      %convert_element_type3A_135 = arith.extui %lt3A_134 : i1 to i32
      %cond3A_136 = arith.constant 0 : i32
      %cond3A_137 = arith.cmpi ne, %convert_element_type3A_135, %cond3A_136 : i32
      scf.if %cond3A_137 {
        %add3A_138 = arith.constant 3 : i32
        %add3A_139 = arith.addi %mul3A_120, %add3A_138 : i32
        %mul3A_140 = arith.constant 128 : i32
        %mul3A_141 = arith.muli %add3A_139, %mul3A_140 : i32
        %add3A_142 = arith.addi %mul3A_2, %mul3A_141 : i32
        %dma_start3A_143 = tpu.memref_slice %arg3[%add3A_142] : memref<425984xi32, #tpu.memory_space<hbm>> -> memref<128xi32, #tpu.memory_space<hbm>>
        %dma_start3A_144 = tpu.memref_slice %arg3[%add3A_142] : memref<425984xi32, #tpu.memory_space<hbm>> -> memref<128xi32, #tpu.memory_space<hbm>>
        tpu.enqueue_dma source(%dma_start3A_144 : memref<128xi32, #tpu.memory_space<hbm>>) target(%arg11 : memref<128xi32, #tpu.memory_space<vmem>>) target_semaphore(%arg18 : memref<!tpu.dma_semaphore, #tpu.memory_space<semaphore_mem>>)
        %dma_wait3A_145 = arith.constant 0 : i32
        %dma_wait3A_146 = tpu.memref_slice %arg3[%dma_wait3A_145] : memref<425984xi32, #tpu.memory_space<hbm>> -> memref<128xi32, #tpu.memory_space<hbm>>
        %dma_wait3A_147 = arith.constant 0 : i32
        %dma_wait3A_148 = tpu.memref_slice %arg3[%dma_wait3A_147] : memref<425984xi32, #tpu.memory_space<hbm>> -> memref<128xi32, #tpu.memory_space<hbm>>
        tpu.wait_dma2 semaphore(%arg18 : memref<!tpu.dma_semaphore, #tpu.memory_space<semaphore_mem>>) src(%dma_wait3A_148 : memref<128xi32, #tpu.memory_space<hbm>>) dst(%arg11 : memref<128xi32, #tpu.memory_space<vmem>>)
        %dma_start3A_149 = arith.constant 0 : i32
        %dma_start3A_150 = arith.constant 0 : i32
        %dma_start3A_151 = tpu.memref_slice %arg2[%dma_start3A_149, %dma_start3A_150] : memref<10000x128xf32, #tpu.memory_space<hbm>> -> memref<10000x128xf32, #tpu.memory_space<hbm>>
        tpu.enqueue_indirect_dma source(%dma_start3A_151 : memref<10000x128xf32, #tpu.memory_space<hbm>>) target(%arg13 : memref<128x128xf32, #tpu.memory_space<vmem>>) offsets(%arg11 : memref<128xi32, #tpu.memory_space<vmem>>) semaphore(%arg16 : memref<!tpu.dma_semaphore, #tpu.memory_space<semaphore_mem>>)
      } else {
      }
    }
    %barrier3A_106 = arith.constant 0 : index
    tpu.barrier barrier_id(%barrier3A_106)
    %mul3A_107 = arith.constant 632 : i32
    %mul3A_108 = arith.muli %arg1, %mul3A_107 : i32
    %mul3A_109 = arith.constant 632 : i32
    %mul3A_110 = arith.muli %arg1, %mul3A_109 : i32
    "tpu.region"() ({
      %run_scoped3A = tpu.sem_alloc : memref<!tpu.dma_semaphore, #tpu.memory_space<semaphore_mem>>
      %dma_start3A_118 = arith.constant 0 : i32
      %dma_start3A_119 = tpu.memref_slice %arg7[%arg0, %mul3A_110, %dma_start3A_118] : memref<2x10112x128xf32, #tpu.memory_space<hbm>> -> memref<1x632x128xf32, #tpu.memory_space<hbm>>
      %dma_start3A_120 = tpu.memref_squeeze %dma_start3A_119 : memref<1x632x128xf32, #tpu.memory_space<hbm>> -> memref<632x128xf32, #tpu.memory_space<hbm>>
      %dma_start3A_121 = arith.constant 0 : i32
      %dma_start3A_122 = tpu.memref_slice %arg14[%mul3A_108, %dma_start3A_121] : memref<10112x128xf32, #tpu.memory_space<vmem_shared>> -> memref<632x128xf32, #tpu.memory_space<vmem_shared>>
      tpu.enqueue_dma source(%dma_start3A_122 : memref<632x128xf32, #tpu.memory_space<vmem_shared>>) target(%dma_start3A_120 : memref<632x128xf32, #tpu.memory_space<hbm>>) target_semaphore(%run_scoped3A : memref<!tpu.dma_semaphore, #tpu.memory_space<semaphore_mem>>)
      %dma_wait3A_123 = arith.constant 0 : i32
      %dma_wait3A_124 = tpu.memref_slice %arg7[%arg0, %mul3A_110, %dma_wait3A_123] : memref<2x10112x128xf32, #tpu.memory_space<hbm>> -> memref<1x632x128xf32, #tpu.memory_space<hbm>>
      %dma_wait3A_125 = tpu.memref_squeeze %dma_wait3A_124 : memref<1x632x128xf32, #tpu.memory_space<hbm>> -> memref<632x128xf32, #tpu.memory_space<hbm>>
      %dma_wait3A_126 = arith.constant 0 : i32
      %dma_wait3A_127 = tpu.memref_slice %arg14[%mul3A_108, %dma_wait3A_126] : memref<10112x128xf32, #tpu.memory_space<vmem_shared>> -> memref<632x128xf32, #tpu.memory_space<vmem_shared>>
      tpu.wait_dma2 semaphore(%run_scoped3A : memref<!tpu.dma_semaphore, #tpu.memory_space<semaphore_mem>>) src(%dma_wait3A_127 : memref<632x128xf32, #tpu.memory_space<vmem_shared>>) dst(%dma_wait3A_125 : memref<632x128xf32, #tpu.memory_space<hbm>>)
      tpu.yield
    }) : () -> ()
    %mul3A_111 = arith.constant 632 : i32
    %mul3A_112 = arith.muli %arg1, %mul3A_111 : i32
    "tpu.region"() ({
      %run_scoped3A = tpu.sem_alloc : memref<!tpu.dma_semaphore, #tpu.memory_space<semaphore_mem>>
      %dma_start3A_118 = tpu.memref_slice %arg20[%mul3A_112] : memref<10112xf32, #tpu.memory_space<vmem_shared>> -> memref<632xf32, #tpu.memory_space<vmem_shared>>
      %dma_start3A_119 = tpu.memref_slice %arg20[%mul3A_112] : memref<10112xf32, #tpu.memory_space<vmem_shared>> -> memref<632xf32, #tpu.memory_space<vmem_shared>>
      tpu.enqueue_dma source(%dma_start3A_119 : memref<632xf32, #tpu.memory_space<vmem_shared>>) target(%arg21 : memref<632xf32, #tpu.memory_space<vmem>>) target_semaphore(%run_scoped3A : memref<!tpu.dma_semaphore, #tpu.memory_space<semaphore_mem>>)
      %dma_wait3A_120 = tpu.memref_slice %arg20[%mul3A_112] : memref<10112xf32, #tpu.memory_space<vmem_shared>> -> memref<632xf32, #tpu.memory_space<vmem_shared>>
      %dma_wait3A_121 = tpu.memref_slice %arg20[%mul3A_112] : memref<10112xf32, #tpu.memory_space<vmem_shared>> -> memref<632xf32, #tpu.memory_space<vmem_shared>>
      tpu.wait_dma2 semaphore(%run_scoped3A : memref<!tpu.dma_semaphore, #tpu.memory_space<semaphore_mem>>) src(%dma_wait3A_121 : memref<632xf32, #tpu.memory_space<vmem_shared>>) dst(%arg21 : memref<632xf32, #tpu.memory_space<vmem>>)
      tpu.yield
    }) : () -> ()
    %mul3A_113 = arith.constant 10112 : i32
    %mul3A_114 = arith.muli %arg0, %mul3A_113 : i32
    %mul3A_115 = arith.constant 632 : i32
    %mul3A_116 = arith.muli %arg1, %mul3A_115 : i32
    %add3A_117 = arith.addi %mul3A_114, %mul3A_116 : i32
    "tpu.region"() ({
      %run_scoped3A = tpu.sem_alloc : memref<!tpu.dma_semaphore, #tpu.memory_space<semaphore_mem>>
      %dma_start3A_118 = tpu.memref_slice %arg8[%add3A_117] : memref<20224xf32, #tpu.memory_space<hbm>> -> memref<632xf32, #tpu.memory_space<hbm>>
      %dma_start3A_119 = tpu.memref_slice %arg8[%add3A_117] : memref<20224xf32, #tpu.memory_space<hbm>> -> memref<632xf32, #tpu.memory_space<hbm>>
      tpu.enqueue_dma source(%arg21 : memref<632xf32, #tpu.memory_space<vmem>>) target(%dma_start3A_119 : memref<632xf32, #tpu.memory_space<hbm>>) target_semaphore(%run_scoped3A : memref<!tpu.dma_semaphore, #tpu.memory_space<semaphore_mem>>)
      %dma_wait3A_120 = tpu.memref_slice %arg8[%add3A_117] : memref<20224xf32, #tpu.memory_space<hbm>> -> memref<632xf32, #tpu.memory_space<hbm>>
      %dma_wait3A_121 = tpu.memref_slice %arg8[%add3A_117] : memref<20224xf32, #tpu.memory_space<hbm>> -> memref<632xf32, #tpu.memory_space<hbm>>
      tpu.wait_dma2 semaphore(%run_scoped3A : memref<!tpu.dma_semaphore, #tpu.memory_space<semaphore_mem>>) src(%arg21 : memref<632xf32, #tpu.memory_space<vmem>>) dst(%dma_wait3A_121 : memref<632xf32, #tpu.memory_space<hbm>>)
      tpu.yield
    }) : () -> ()
    return
  }
}

#map = affine_map<(d0, d1) -> (0, 0)>
#map1 = affine_map<(d0, d1) -> (0)>
#map2 = affine_map<(d0, d1) -> (0, 0, 0)>
module attributes {stable_mosaic.version = 14 : i64} {
  func.func @body(%arg0: i32, %arg1: i32, %arg2: memref<10000x128xf32, #tpu.memory_space<hbm>>, %arg3: memref<425984xi32, #tpu.memory_space<hbm>>, %arg4: memref<32x104x128xi32, #tpu.memory_space<hbm>>, %arg5: memref<10112x128xf32, #tpu.memory_space<hbm>>, %arg6: memref<10112xf32, #tpu.memory_space<hbm>>, %arg7: memref<2x10112x128xf32, #tpu.memory_space<hbm>>, %arg8: memref<104x128xi32, #tpu.memory_space<vmem>>, %arg9: memref<128xi32, #tpu.memory_space<vmem>>, %arg10: memref<128xi32, #tpu.memory_space<vmem>>, %arg11: memref<128x128xf32, #tpu.memory_space<vmem>>, %arg12: memref<128x128xf32, #tpu.memory_space<vmem>>, %arg13: memref<10112x128xf32, #tpu.memory_space<vmem_shared>>, %arg14: memref<!tpu.dma_semaphore, #tpu.memory_space<semaphore_mem>>, %arg15: memref<!tpu.dma_semaphore, #tpu.memory_space<semaphore_mem>>, %arg16: memref<!tpu.dma_semaphore, #tpu.memory_space<semaphore_mem>>, %arg17: memref<!tpu.dma_semaphore, #tpu.memory_space<semaphore_mem>>) attributes {dimension_semantics = [#tpu.dimension_semantics<core_parallel>, #tpu.dimension_semantics<subcore_parallel>], iteration_bounds = array<i64: 2, 16>, scalar_prefetch = 0 : i64, scratch_operands = 10 : i64, tpu.core_type = #tpu.core_type<sc_vector_subcore>, window_params = [{transform_indices = #map}, {transform_indices = #map1}, {transform_indices = #map2}, {transform_indices = #map}, {transform_indices = #map1}, {transform_indices = #map2}]} {
    %mul3A = arith.constant 2 : i32
    %mul3A_0 = arith.muli %arg1, %mul3A : i32
    %add3A = arith.addi %mul3A_0, %arg0 : i32
    %mul3A_1 = arith.constant 13312 : i32
    %mul3A_2 = arith.muli %add3A, %mul3A_1 : i32
    %eq3A = arith.constant 0 : i32
    %eq3A_3 = arith.cmpi eq, %arg0, %eq3A : i32
    %jit3A = arith.constant 104 : i32
    %jit3A_4 = arith.constant 54 : i32
    %select_n3A = arith.select %eq3A_3, %jit3A, %jit3A_4 : i32
    "tpu.region"() ({
      %run_scoped3A = tpu.sem_alloc : memref<!tpu.dma_semaphore, #tpu.memory_space<semaphore_mem>>
      %dma_start3A_61 = arith.constant 0 : i32
      %dma_start3A_62 = arith.constant 0 : i32
      %dma_start3A_63 = tpu.memref_slice %arg4[%add3A, %dma_start3A_61, %dma_start3A_62] : memref<32x104x128xi32, #tpu.memory_space<hbm>> -> memref<1x104x128xi32, #tpu.memory_space<hbm>>
      %dma_start3A_64 = tpu.memref_squeeze %dma_start3A_63 : memref<1x104x128xi32, #tpu.memory_space<hbm>> -> memref<104x128xi32, #tpu.memory_space<hbm>>
      %dma_start3A_65 = arith.constant 0 : i32
      %dma_start3A_66 = arith.constant 0 : i32
      %dma_start3A_67 = tpu.memref_slice %arg4[%add3A, %dma_start3A_65, %dma_start3A_66] : memref<32x104x128xi32, #tpu.memory_space<hbm>> -> memref<1x104x128xi32, #tpu.memory_space<hbm>>
      %dma_start3A_68 = tpu.memref_squeeze %dma_start3A_67 : memref<1x104x128xi32, #tpu.memory_space<hbm>> -> memref<104x128xi32, #tpu.memory_space<hbm>>
      tpu.enqueue_dma source(%dma_start3A_68 : memref<104x128xi32, #tpu.memory_space<hbm>>) target(%arg8 : memref<104x128xi32, #tpu.memory_space<vmem>>) target_semaphore(%run_scoped3A : memref<!tpu.dma_semaphore, #tpu.memory_space<semaphore_mem>>)
      %dma_wait3A_69 = arith.constant 0 : i32
      %dma_wait3A_70 = arith.constant 0 : i32
      %dma_wait3A_71 = tpu.memref_slice %arg4[%add3A, %dma_wait3A_69, %dma_wait3A_70] : memref<32x104x128xi32, #tpu.memory_space<hbm>> -> memref<1x104x128xi32, #tpu.memory_space<hbm>>
      %dma_wait3A_72 = tpu.memref_squeeze %dma_wait3A_71 : memref<1x104x128xi32, #tpu.memory_space<hbm>> -> memref<104x128xi32, #tpu.memory_space<hbm>>
      %dma_wait3A_73 = arith.constant 0 : i32
      %dma_wait3A_74 = arith.constant 0 : i32
      %dma_wait3A_75 = tpu.memref_slice %arg4[%add3A, %dma_wait3A_73, %dma_wait3A_74] : memref<32x104x128xi32, #tpu.memory_space<hbm>> -> memref<1x104x128xi32, #tpu.memory_space<hbm>>
      %dma_wait3A_76 = tpu.memref_squeeze %dma_wait3A_75 : memref<1x104x128xi32, #tpu.memory_space<hbm>> -> memref<104x128xi32, #tpu.memory_space<hbm>>
      tpu.wait_dma2 semaphore(%run_scoped3A : memref<!tpu.dma_semaphore, #tpu.memory_space<semaphore_mem>>) src(%dma_wait3A_76 : memref<104x128xi32, #tpu.memory_space<hbm>>) dst(%arg8 : memref<104x128xi32, #tpu.memory_space<vmem>>)
      tpu.yield
    }) : () -> ()
    %mul3A_5 = arith.constant 632 : i32
    %mul3A_6 = arith.muli %arg1, %mul3A_5 : i32
    %mul3A_7 = arith.constant 632 : i32
    %mul3A_8 = arith.muli %arg1, %mul3A_7 : i32
    "tpu.region"() ({
      %run_scoped3A = tpu.sem_alloc : memref<!tpu.dma_semaphore, #tpu.memory_space<semaphore_mem>>
      %dma_start3A_61 = arith.constant 0 : i32
      %dma_start3A_62 = tpu.memref_slice %arg13[%mul3A_8, %dma_start3A_61] : memref<10112x128xf32, #tpu.memory_space<vmem_shared>> -> memref<632x128xf32, #tpu.memory_space<vmem_shared>>
      %dma_start3A_63 = arith.constant 0 : i32
      %dma_start3A_64 = tpu.memref_slice %arg5[%mul3A_6, %dma_start3A_63] : memref<10112x128xf32, #tpu.memory_space<hbm>> -> memref<632x128xf32, #tpu.memory_space<hbm>>
      tpu.enqueue_dma source(%dma_start3A_64 : memref<632x128xf32, #tpu.memory_space<hbm>>) target(%dma_start3A_62 : memref<632x128xf32, #tpu.memory_space<vmem_shared>>) target_semaphore(%run_scoped3A : memref<!tpu.dma_semaphore, #tpu.memory_space<semaphore_mem>>)
      %dma_wait3A_65 = arith.constant 0 : i32
      %dma_wait3A_66 = tpu.memref_slice %arg13[%mul3A_8, %dma_wait3A_65] : memref<10112x128xf32, #tpu.memory_space<vmem_shared>> -> memref<632x128xf32, #tpu.memory_space<vmem_shared>>
      %dma_wait3A_67 = arith.constant 0 : i32
      %dma_wait3A_68 = tpu.memref_slice %arg5[%mul3A_6, %dma_wait3A_67] : memref<10112x128xf32, #tpu.memory_space<hbm>> -> memref<632x128xf32, #tpu.memory_space<hbm>>
      tpu.wait_dma2 semaphore(%run_scoped3A : memref<!tpu.dma_semaphore, #tpu.memory_space<semaphore_mem>>) src(%dma_wait3A_68 : memref<632x128xf32, #tpu.memory_space<hbm>>) dst(%dma_wait3A_66 : memref<632x128xf32, #tpu.memory_space<vmem_shared>>)
      tpu.yield
    }) : () -> ()
    %barrier3A = arith.constant 0 : index
    tpu.barrier barrier_id(%barrier3A)
    %add3A_9 = arith.constant 0 : i32
    %add3A_10 = arith.addi %mul3A_2, %add3A_9 : i32
    %dma_start3A = tpu.memref_slice %arg3[%add3A_10] : memref<425984xi32, #tpu.memory_space<hbm>> -> memref<128xi32, #tpu.memory_space<hbm>>
    %dma_start3A_11 = tpu.memref_slice %arg3[%add3A_10] : memref<425984xi32, #tpu.memory_space<hbm>> -> memref<128xi32, #tpu.memory_space<hbm>>
    tpu.enqueue_dma source(%dma_start3A_11 : memref<128xi32, #tpu.memory_space<hbm>>) target(%arg9 : memref<128xi32, #tpu.memory_space<vmem>>) target_semaphore(%arg16 : memref<!tpu.dma_semaphore, #tpu.memory_space<semaphore_mem>>)
    %dma_wait3A = arith.constant 0 : i32
    %dma_wait3A_12 = tpu.memref_slice %arg3[%dma_wait3A] : memref<425984xi32, #tpu.memory_space<hbm>> -> memref<128xi32, #tpu.memory_space<hbm>>
    %dma_wait3A_13 = arith.constant 0 : i32
    %dma_wait3A_14 = tpu.memref_slice %arg3[%dma_wait3A_13] : memref<425984xi32, #tpu.memory_space<hbm>> -> memref<128xi32, #tpu.memory_space<hbm>>
    tpu.wait_dma2 semaphore(%arg16 : memref<!tpu.dma_semaphore, #tpu.memory_space<semaphore_mem>>) src(%dma_wait3A_14 : memref<128xi32, #tpu.memory_space<hbm>>) dst(%arg9 : memref<128xi32, #tpu.memory_space<vmem>>)
    %dma_start3A_15 = arith.constant 0 : i32
    %dma_start3A_16 = arith.constant 0 : i32
    %dma_start3A_17 = tpu.memref_slice %arg2[%dma_start3A_15, %dma_start3A_16] : memref<10000x128xf32, #tpu.memory_space<hbm>> -> memref<10000x128xf32, #tpu.memory_space<hbm>>
    tpu.enqueue_indirect_dma source(%dma_start3A_17 : memref<10000x128xf32, #tpu.memory_space<hbm>>) target(%arg11 : memref<128x128xf32, #tpu.memory_space<vmem>>) offsets(%arg9 : memref<128xi32, #tpu.memory_space<vmem>>) semaphore(%arg14 : memref<!tpu.dma_semaphore, #tpu.memory_space<semaphore_mem>>)
    %add3A_18 = arith.constant 128 : i32
    %add3A_19 = arith.addi %mul3A_2, %add3A_18 : i32
    %dma_start3A_20 = tpu.memref_slice %arg3[%add3A_19] : memref<425984xi32, #tpu.memory_space<hbm>> -> memref<128xi32, #tpu.memory_space<hbm>>
    %dma_start3A_21 = tpu.memref_slice %arg3[%add3A_19] : memref<425984xi32, #tpu.memory_space<hbm>> -> memref<128xi32, #tpu.memory_space<hbm>>
    tpu.enqueue_dma source(%dma_start3A_21 : memref<128xi32, #tpu.memory_space<hbm>>) target(%arg10 : memref<128xi32, #tpu.memory_space<vmem>>) target_semaphore(%arg17 : memref<!tpu.dma_semaphore, #tpu.memory_space<semaphore_mem>>)
    %dma_wait3A_22 = arith.constant 0 : i32
    %dma_wait3A_23 = tpu.memref_slice %arg3[%dma_wait3A_22] : memref<425984xi32, #tpu.memory_space<hbm>> -> memref<128xi32, #tpu.memory_space<hbm>>
    %dma_wait3A_24 = arith.constant 0 : i32
    %dma_wait3A_25 = tpu.memref_slice %arg3[%dma_wait3A_24] : memref<425984xi32, #tpu.memory_space<hbm>> -> memref<128xi32, #tpu.memory_space<hbm>>
    tpu.wait_dma2 semaphore(%arg17 : memref<!tpu.dma_semaphore, #tpu.memory_space<semaphore_mem>>) src(%dma_wait3A_25 : memref<128xi32, #tpu.memory_space<hbm>>) dst(%arg10 : memref<128xi32, #tpu.memory_space<vmem>>)
    %dma_start3A_26 = arith.constant 0 : i32
    %dma_start3A_27 = arith.constant 0 : i32
    %dma_start3A_28 = tpu.memref_slice %arg2[%dma_start3A_26, %dma_start3A_27] : memref<10000x128xf32, #tpu.memory_space<hbm>> -> memref<10000x128xf32, #tpu.memory_space<hbm>>
    tpu.enqueue_indirect_dma source(%dma_start3A_28 : memref<10000x128xf32, #tpu.memory_space<hbm>>) target(%arg12 : memref<128x128xf32, #tpu.memory_space<vmem>>) offsets(%arg10 : memref<128xi32, #tpu.memory_space<vmem>>) semaphore(%arg15 : memref<!tpu.dma_semaphore, #tpu.memory_space<semaphore_mem>>)
    %jit3A_29 = arith.constant 2 : i32
    %div3A = arith.divsi %select_n3A, %jit3A_29 : i32
    %sign3A = arith.constant 0 : i32
    %sign3A_30 = arith.cmpi sgt, %select_n3A, %sign3A : i32
    %sign3A_31 = arith.extui %sign3A_30 : i1 to i32
    %sign3A_32 = arith.constant 0 : i32
    %sign3A_33 = arith.cmpi slt, %select_n3A, %sign3A_32 : i32
    %sign3A_34 = arith.extui %sign3A_33 : i1 to i32
    %sign3A_35 = arith.subi %sign3A_31, %sign3A_34 : i32
    %sign3A_36 = arith.constant 0 : i32
    %sign3A_37 = arith.cmpi sgt, %jit3A_29, %sign3A_36 : i32
    %sign3A_38 = arith.extui %sign3A_37 : i1 to i32
    %sign3A_39 = arith.constant 0 : i32
    %sign3A_40 = arith.cmpi slt, %jit3A_29, %sign3A_39 : i32
    %sign3A_41 = arith.extui %sign3A_40 : i1 to i32
    %sign3A_42 = arith.subi %sign3A_38, %sign3A_41 : i32
    %ne3A = arith.cmpi ne, %sign3A_35, %sign3A_42 : i32
    %rem3A = arith.remsi %select_n3A, %jit3A_29 : i32
    %ne3A_43 = arith.constant 0 : i32
    %ne3A_44 = arith.cmpi ne, %rem3A, %ne3A_43 : i32
    %and3A = arith.andi %ne3A, %ne3A_44 : i1
    %sub3A = arith.constant 1 : i32
    %sub3A_45 = arith.subi %div3A, %sub3A : i32
    %select_n3A_46 = arith.select %and3A, %sub3A_45, %div3A : i32
    %while3A = arith.constant 0 : i32
    %while3A_47 = arith.constant 0 : i32
    %while3A_48 = arith.subi %select_n3A_46, %while3A_47 : i32
    %while3A_49 = arith.addi %while3A_47, %while3A_48 : i32
    %while3A_50 = arith.constant 1 : i32
    %while3A_51 = arith.divsi %while3A_48, %while3A_50 : i32
    %while3A_52 = arith.muli %while3A_51, %while3A_50 : i32
    %while3A_53 = arith.addi %while3A_47, %while3A_52 : i32
    %while3A_54 = arith.constant 1 : i32
    scf.for %while3A_61 = %while3A_47 to %while3A_53 step %while3A_54  : i32 {
      %mul3A_62 = arith.constant 2 : i32
      %mul3A_63 = arith.muli %mul3A_62, %while3A_61 : i32
      %dma_wait3A_64 = arith.constant 0 : i32
      %dma_wait3A_65 = arith.constant 0 : i32
      %dma_wait3A_66 = tpu.memref_slice %arg2[%dma_wait3A_64, %dma_wait3A_65] : memref<10000x128xf32, #tpu.memory_space<hbm>> -> memref<10000x128xf32, #tpu.memory_space<hbm>>
      tpu.wait_indirect_dma semaphore(%arg14 : memref<!tpu.dma_semaphore, #tpu.memory_space<semaphore_mem>>) src(%dma_wait3A_66 : memref<10000x128xf32, #tpu.memory_space<hbm>>) dst(%arg11 : memref<128x128xf32, #tpu.memory_space<vmem>>)
      "tpu.region"() ({
        %run_scoped3A = tpu.sem_alloc : memref<!tpu.dma_semaphore, #tpu.memory_space<semaphore_mem>>
        %dma_start3A_81 = arith.constant 0 : i32
        %dma_start3A_82 = tpu.memref_slice %arg8[%mul3A_63, %dma_start3A_81] : memref<104x128xi32, #tpu.memory_space<vmem>> -> memref<1x128xi32, #tpu.memory_space<vmem>>
        %dma_start3A_83 = tpu.memref_squeeze %dma_start3A_82 : memref<1x128xi32, #tpu.memory_space<vmem>> -> memref<128xi32, #tpu.memory_space<vmem>>
        %dma_start3A_84 = arith.constant 0 : i32
        %dma_start3A_85 = arith.constant 0 : i32
        %dma_start3A_86 = tpu.memref_slice %arg13[%dma_start3A_84, %dma_start3A_85] : memref<10112x128xf32, #tpu.memory_space<vmem_shared>> -> memref<10112x128xf32, #tpu.memory_space<vmem_shared>>
        tpu.enqueue_indirect_dma source(%arg11 : memref<128x128xf32, #tpu.memory_space<vmem>>) target(%dma_start3A_86 : memref<10112x128xf32, #tpu.memory_space<vmem_shared>>) offsets(%dma_start3A_83 : memref<128xi32, #tpu.memory_space<vmem>>) semaphore(%run_scoped3A : memref<!tpu.dma_semaphore, #tpu.memory_space<semaphore_mem>>) {add = true}
        %dma_wait3A_87 = arith.constant 0 : i32
        %dma_wait3A_88 = tpu.memref_slice %arg8[%mul3A_63, %dma_wait3A_87] : memref<104x128xi32, #tpu.memory_space<vmem>> -> memref<1x128xi32, #tpu.memory_space<vmem>>
        %dma_wait3A_89 = tpu.memref_squeeze %dma_wait3A_88 : memref<1x128xi32, #tpu.memory_space<vmem>> -> memref<128xi32, #tpu.memory_space<vmem>>
        %dma_wait3A_90 = arith.constant 0 : i32
        %dma_wait3A_91 = arith.constant 0 : i32
        %dma_wait3A_92 = tpu.memref_slice %arg13[%dma_wait3A_90, %dma_wait3A_91] : memref<10112x128xf32, #tpu.memory_space<vmem_shared>> -> memref<10112x128xf32, #tpu.memory_space<vmem_shared>>
        tpu.wait_indirect_dma semaphore(%run_scoped3A : memref<!tpu.dma_semaphore, #tpu.memory_space<semaphore_mem>>) src(%arg11 : memref<128x128xf32, #tpu.memory_space<vmem>>) dst(%dma_wait3A_92 : memref<10112x128xf32, #tpu.memory_space<vmem_shared>>)
        tpu.yield
      }) : () -> ()
      %add3A_67 = arith.constant 2 : i32
      %add3A_68 = arith.addi %mul3A_63, %add3A_67 : i32
      %lt3A = arith.cmpi slt, %add3A_68, %select_n3A : i32
      %convert_element_type3A = arith.extui %lt3A : i1 to i32
      %cond3A = arith.constant 0 : i32
      %cond3A_69 = arith.cmpi ne, %convert_element_type3A, %cond3A : i32
      scf.if %cond3A_69 {
        %add3A_81 = arith.constant 2 : i32
        %add3A_82 = arith.addi %mul3A_63, %add3A_81 : i32
        %mul3A_83 = arith.constant 128 : i32
        %mul3A_84 = arith.muli %add3A_82, %mul3A_83 : i32
        %add3A_85 = arith.addi %mul3A_2, %mul3A_84 : i32
        %dma_start3A_86 = tpu.memref_slice %arg3[%add3A_85] : memref<425984xi32, #tpu.memory_space<hbm>> -> memref<128xi32, #tpu.memory_space<hbm>>
        %dma_start3A_87 = tpu.memref_slice %arg3[%add3A_85] : memref<425984xi32, #tpu.memory_space<hbm>> -> memref<128xi32, #tpu.memory_space<hbm>>
        tpu.enqueue_dma source(%dma_start3A_87 : memref<128xi32, #tpu.memory_space<hbm>>) target(%arg9 : memref<128xi32, #tpu.memory_space<vmem>>) target_semaphore(%arg16 : memref<!tpu.dma_semaphore, #tpu.memory_space<semaphore_mem>>)
        %dma_wait3A_88 = arith.constant 0 : i32
        %dma_wait3A_89 = tpu.memref_slice %arg3[%dma_wait3A_88] : memref<425984xi32, #tpu.memory_space<hbm>> -> memref<128xi32, #tpu.memory_space<hbm>>
        %dma_wait3A_90 = arith.constant 0 : i32
        %dma_wait3A_91 = tpu.memref_slice %arg3[%dma_wait3A_90] : memref<425984xi32, #tpu.memory_space<hbm>> -> memref<128xi32, #tpu.memory_space<hbm>>
        tpu.wait_dma2 semaphore(%arg16 : memref<!tpu.dma_semaphore, #tpu.memory_space<semaphore_mem>>) src(%dma_wait3A_91 : memref<128xi32, #tpu.memory_space<hbm>>) dst(%arg9 : memref<128xi32, #tpu.memory_space<vmem>>)
        %dma_start3A_92 = arith.constant 0 : i32
        %dma_start3A_93 = arith.constant 0 : i32
        %dma_start3A_94 = tpu.memref_slice %arg2[%dma_start3A_92, %dma_start3A_93] : memref<10000x128xf32, #tpu.memory_space<hbm>> -> memref<10000x128xf32, #tpu.memory_space<hbm>>
        tpu.enqueue_indirect_dma source(%dma_start3A_94 : memref<10000x128xf32, #tpu.memory_space<hbm>>) target(%arg11 : memref<128x128xf32, #tpu.memory_space<vmem>>) offsets(%arg9 : memref<128xi32, #tpu.memory_space<vmem>>) semaphore(%arg14 : memref<!tpu.dma_semaphore, #tpu.memory_space<semaphore_mem>>)
      } else {
      }
      %dma_wait3A_70 = arith.constant 0 : i32
      %dma_wait3A_71 = arith.constant 0 : i32
      %dma_wait3A_72 = tpu.memref_slice %arg2[%dma_wait3A_70, %dma_wait3A_71] : memref<10000x128xf32, #tpu.memory_space<hbm>> -> memref<10000x128xf32, #tpu.memory_space<hbm>>
      tpu.wait_indirect_dma semaphore(%arg15 : memref<!tpu.dma_semaphore, #tpu.memory_space<semaphore_mem>>) src(%dma_wait3A_72 : memref<10000x128xf32, #tpu.memory_space<hbm>>) dst(%arg12 : memref<128x128xf32, #tpu.memory_space<vmem>>)
      %add3A_73 = arith.constant 1 : i32
      %add3A_74 = arith.addi %mul3A_63, %add3A_73 : i32
      "tpu.region"() ({
        %run_scoped3A = tpu.sem_alloc : memref<!tpu.dma_semaphore, #tpu.memory_space<semaphore_mem>>
        %dma_start3A_81 = arith.constant 0 : i32
        %dma_start3A_82 = tpu.memref_slice %arg8[%add3A_74, %dma_start3A_81] : memref<104x128xi32, #tpu.memory_space<vmem>> -> memref<1x128xi32, #tpu.memory_space<vmem>>
        %dma_start3A_83 = tpu.memref_squeeze %dma_start3A_82 : memref<1x128xi32, #tpu.memory_space<vmem>> -> memref<128xi32, #tpu.memory_space<vmem>>
        %dma_start3A_84 = arith.constant 0 : i32
        %dma_start3A_85 = arith.constant 0 : i32
        %dma_start3A_86 = tpu.memref_slice %arg13[%dma_start3A_84, %dma_start3A_85] : memref<10112x128xf32, #tpu.memory_space<vmem_shared>> -> memref<10112x128xf32, #tpu.memory_space<vmem_shared>>
        tpu.enqueue_indirect_dma source(%arg12 : memref<128x128xf32, #tpu.memory_space<vmem>>) target(%dma_start3A_86 : memref<10112x128xf32, #tpu.memory_space<vmem_shared>>) offsets(%dma_start3A_83 : memref<128xi32, #tpu.memory_space<vmem>>) semaphore(%run_scoped3A : memref<!tpu.dma_semaphore, #tpu.memory_space<semaphore_mem>>) {add = true}
        %dma_wait3A_87 = arith.constant 0 : i32
        %dma_wait3A_88 = tpu.memref_slice %arg8[%add3A_74, %dma_wait3A_87] : memref<104x128xi32, #tpu.memory_space<vmem>> -> memref<1x128xi32, #tpu.memory_space<vmem>>
        %dma_wait3A_89 = tpu.memref_squeeze %dma_wait3A_88 : memref<1x128xi32, #tpu.memory_space<vmem>> -> memref<128xi32, #tpu.memory_space<vmem>>
        %dma_wait3A_90 = arith.constant 0 : i32
        %dma_wait3A_91 = arith.constant 0 : i32
        %dma_wait3A_92 = tpu.memref_slice %arg13[%dma_wait3A_90, %dma_wait3A_91] : memref<10112x128xf32, #tpu.memory_space<vmem_shared>> -> memref<10112x128xf32, #tpu.memory_space<vmem_shared>>
        tpu.wait_indirect_dma semaphore(%run_scoped3A : memref<!tpu.dma_semaphore, #tpu.memory_space<semaphore_mem>>) src(%arg12 : memref<128x128xf32, #tpu.memory_space<vmem>>) dst(%dma_wait3A_92 : memref<10112x128xf32, #tpu.memory_space<vmem_shared>>)
        tpu.yield
      }) : () -> ()
      %add3A_75 = arith.constant 3 : i32
      %add3A_76 = arith.addi %mul3A_63, %add3A_75 : i32
      %lt3A_77 = arith.cmpi slt, %add3A_76, %select_n3A : i32
      %convert_element_type3A_78 = arith.extui %lt3A_77 : i1 to i32
      %cond3A_79 = arith.constant 0 : i32
      %cond3A_80 = arith.cmpi ne, %convert_element_type3A_78, %cond3A_79 : i32
      scf.if %cond3A_80 {
        %add3A_81 = arith.constant 3 : i32
        %add3A_82 = arith.addi %mul3A_63, %add3A_81 : i32
        %mul3A_83 = arith.constant 128 : i32
        %mul3A_84 = arith.muli %add3A_82, %mul3A_83 : i32
        %add3A_85 = arith.addi %mul3A_2, %mul3A_84 : i32
        %dma_start3A_86 = tpu.memref_slice %arg3[%add3A_85] : memref<425984xi32, #tpu.memory_space<hbm>> -> memref<128xi32, #tpu.memory_space<hbm>>
        %dma_start3A_87 = tpu.memref_slice %arg3[%add3A_85] : memref<425984xi32, #tpu.memory_space<hbm>> -> memref<128xi32, #tpu.memory_space<hbm>>
        tpu.enqueue_dma source(%dma_start3A_87 : memref<128xi32, #tpu.memory_space<hbm>>) target(%arg10 : memref<128xi32, #tpu.memory_space<vmem>>) target_semaphore(%arg17 : memref<!tpu.dma_semaphore, #tpu.memory_space<semaphore_mem>>)
        %dma_wait3A_88 = arith.constant 0 : i32
        %dma_wait3A_89 = tpu.memref_slice %arg3[%dma_wait3A_88] : memref<425984xi32, #tpu.memory_space<hbm>> -> memref<128xi32, #tpu.memory_space<hbm>>
        %dma_wait3A_90 = arith.constant 0 : i32
        %dma_wait3A_91 = tpu.memref_slice %arg3[%dma_wait3A_90] : memref<425984xi32, #tpu.memory_space<hbm>> -> memref<128xi32, #tpu.memory_space<hbm>>
        tpu.wait_dma2 semaphore(%arg17 : memref<!tpu.dma_semaphore, #tpu.memory_space<semaphore_mem>>) src(%dma_wait3A_91 : memref<128xi32, #tpu.memory_space<hbm>>) dst(%arg10 : memref<128xi32, #tpu.memory_space<vmem>>)
        %dma_start3A_92 = arith.constant 0 : i32
        %dma_start3A_93 = arith.constant 0 : i32
        %dma_start3A_94 = tpu.memref_slice %arg2[%dma_start3A_92, %dma_start3A_93] : memref<10000x128xf32, #tpu.memory_space<hbm>> -> memref<10000x128xf32, #tpu.memory_space<hbm>>
        tpu.enqueue_indirect_dma source(%dma_start3A_94 : memref<10000x128xf32, #tpu.memory_space<hbm>>) target(%arg12 : memref<128x128xf32, #tpu.memory_space<vmem>>) offsets(%arg10 : memref<128xi32, #tpu.memory_space<vmem>>) semaphore(%arg15 : memref<!tpu.dma_semaphore, #tpu.memory_space<semaphore_mem>>)
      } else {
      }
    }
    %while3A_55 = arith.constant 1 : i32
    scf.for %while3A_61 = %while3A_53 to %while3A_49 step %while3A_55  : i32 {
      %mul3A_62 = arith.constant 2 : i32
      %mul3A_63 = arith.muli %mul3A_62, %while3A_61 : i32
      %dma_wait3A_64 = arith.constant 0 : i32
      %dma_wait3A_65 = arith.constant 0 : i32
      %dma_wait3A_66 = tpu.memref_slice %arg2[%dma_wait3A_64, %dma_wait3A_65] : memref<10000x128xf32, #tpu.memory_space<hbm>> -> memref<10000x128xf32, #tpu.memory_space<hbm>>
      tpu.wait_indirect_dma semaphore(%arg14 : memref<!tpu.dma_semaphore, #tpu.memory_space<semaphore_mem>>) src(%dma_wait3A_66 : memref<10000x128xf32, #tpu.memory_space<hbm>>) dst(%arg11 : memref<128x128xf32, #tpu.memory_space<vmem>>)
      "tpu.region"() ({
        %run_scoped3A = tpu.sem_alloc : memref<!tpu.dma_semaphore, #tpu.memory_space<semaphore_mem>>
        %dma_start3A_81 = arith.constant 0 : i32
        %dma_start3A_82 = tpu.memref_slice %arg8[%mul3A_63, %dma_start3A_81] : memref<104x128xi32, #tpu.memory_space<vmem>> -> memref<1x128xi32, #tpu.memory_space<vmem>>
        %dma_start3A_83 = tpu.memref_squeeze %dma_start3A_82 : memref<1x128xi32, #tpu.memory_space<vmem>> -> memref<128xi32, #tpu.memory_space<vmem>>
        %dma_start3A_84 = arith.constant 0 : i32
        %dma_start3A_85 = arith.constant 0 : i32
        %dma_start3A_86 = tpu.memref_slice %arg13[%dma_start3A_84, %dma_start3A_85] : memref<10112x128xf32, #tpu.memory_space<vmem_shared>> -> memref<10112x128xf32, #tpu.memory_space<vmem_shared>>
        tpu.enqueue_indirect_dma source(%arg11 : memref<128x128xf32, #tpu.memory_space<vmem>>) target(%dma_start3A_86 : memref<10112x128xf32, #tpu.memory_space<vmem_shared>>) offsets(%dma_start3A_83 : memref<128xi32, #tpu.memory_space<vmem>>) semaphore(%run_scoped3A : memref<!tpu.dma_semaphore, #tpu.memory_space<semaphore_mem>>) {add = true}
        %dma_wait3A_87 = arith.constant 0 : i32
        %dma_wait3A_88 = tpu.memref_slice %arg8[%mul3A_63, %dma_wait3A_87] : memref<104x128xi32, #tpu.memory_space<vmem>> -> memref<1x128xi32, #tpu.memory_space<vmem>>
        %dma_wait3A_89 = tpu.memref_squeeze %dma_wait3A_88 : memref<1x128xi32, #tpu.memory_space<vmem>> -> memref<128xi32, #tpu.memory_space<vmem>>
        %dma_wait3A_90 = arith.constant 0 : i32
        %dma_wait3A_91 = arith.constant 0 : i32
        %dma_wait3A_92 = tpu.memref_slice %arg13[%dma_wait3A_90, %dma_wait3A_91] : memref<10112x128xf32, #tpu.memory_space<vmem_shared>> -> memref<10112x128xf32, #tpu.memory_space<vmem_shared>>
        tpu.wait_indirect_dma semaphore(%run_scoped3A : memref<!tpu.dma_semaphore, #tpu.memory_space<semaphore_mem>>) src(%arg11 : memref<128x128xf32, #tpu.memory_space<vmem>>) dst(%dma_wait3A_92 : memref<10112x128xf32, #tpu.memory_space<vmem_shared>>)
        tpu.yield
      }) : () -> ()
      %add3A_67 = arith.constant 2 : i32
      %add3A_68 = arith.addi %mul3A_63, %add3A_67 : i32
      %lt3A = arith.cmpi slt, %add3A_68, %select_n3A : i32
      %convert_element_type3A = arith.extui %lt3A : i1 to i32
      %cond3A = arith.constant 0 : i32
      %cond3A_69 = arith.cmpi ne, %convert_element_type3A, %cond3A : i32
      scf.if %cond3A_69 {
        %add3A_81 = arith.constant 2 : i32
        %add3A_82 = arith.addi %mul3A_63, %add3A_81 : i32
        %mul3A_83 = arith.constant 128 : i32
        %mul3A_84 = arith.muli %add3A_82, %mul3A_83 : i32
        %add3A_85 = arith.addi %mul3A_2, %mul3A_84 : i32
        %dma_start3A_86 = tpu.memref_slice %arg3[%add3A_85] : memref<425984xi32, #tpu.memory_space<hbm>> -> memref<128xi32, #tpu.memory_space<hbm>>
        %dma_start3A_87 = tpu.memref_slice %arg3[%add3A_85] : memref<425984xi32, #tpu.memory_space<hbm>> -> memref<128xi32, #tpu.memory_space<hbm>>
        tpu.enqueue_dma source(%dma_start3A_87 : memref<128xi32, #tpu.memory_space<hbm>>) target(%arg9 : memref<128xi32, #tpu.memory_space<vmem>>) target_semaphore(%arg16 : memref<!tpu.dma_semaphore, #tpu.memory_space<semaphore_mem>>)
        %dma_wait3A_88 = arith.constant 0 : i32
        %dma_wait3A_89 = tpu.memref_slice %arg3[%dma_wait3A_88] : memref<425984xi32, #tpu.memory_space<hbm>> -> memref<128xi32, #tpu.memory_space<hbm>>
        %dma_wait3A_90 = arith.constant 0 : i32
        %dma_wait3A_91 = tpu.memref_slice %arg3[%dma_wait3A_90] : memref<425984xi32, #tpu.memory_space<hbm>> -> memref<128xi32, #tpu.memory_space<hbm>>
        tpu.wait_dma2 semaphore(%arg16 : memref<!tpu.dma_semaphore, #tpu.memory_space<semaphore_mem>>) src(%dma_wait3A_91 : memref<128xi32, #tpu.memory_space<hbm>>) dst(%arg9 : memref<128xi32, #tpu.memory_space<vmem>>)
        %dma_start3A_92 = arith.constant 0 : i32
        %dma_start3A_93 = arith.constant 0 : i32
        %dma_start3A_94 = tpu.memref_slice %arg2[%dma_start3A_92, %dma_start3A_93] : memref<10000x128xf32, #tpu.memory_space<hbm>> -> memref<10000x128xf32, #tpu.memory_space<hbm>>
        tpu.enqueue_indirect_dma source(%dma_start3A_94 : memref<10000x128xf32, #tpu.memory_space<hbm>>) target(%arg11 : memref<128x128xf32, #tpu.memory_space<vmem>>) offsets(%arg9 : memref<128xi32, #tpu.memory_space<vmem>>) semaphore(%arg14 : memref<!tpu.dma_semaphore, #tpu.memory_space<semaphore_mem>>)
      } else {
      }
      %dma_wait3A_70 = arith.constant 0 : i32
      %dma_wait3A_71 = arith.constant 0 : i32
      %dma_wait3A_72 = tpu.memref_slice %arg2[%dma_wait3A_70, %dma_wait3A_71] : memref<10000x128xf32, #tpu.memory_space<hbm>> -> memref<10000x128xf32, #tpu.memory_space<hbm>>
      tpu.wait_indirect_dma semaphore(%arg15 : memref<!tpu.dma_semaphore, #tpu.memory_space<semaphore_mem>>) src(%dma_wait3A_72 : memref<10000x128xf32, #tpu.memory_space<hbm>>) dst(%arg12 : memref<128x128xf32, #tpu.memory_space<vmem>>)
      %add3A_73 = arith.constant 1 : i32
      %add3A_74 = arith.addi %mul3A_63, %add3A_73 : i32
      "tpu.region"() ({
        %run_scoped3A = tpu.sem_alloc : memref<!tpu.dma_semaphore, #tpu.memory_space<semaphore_mem>>
        %dma_start3A_81 = arith.constant 0 : i32
        %dma_start3A_82 = tpu.memref_slice %arg8[%add3A_74, %dma_start3A_81] : memref<104x128xi32, #tpu.memory_space<vmem>> -> memref<1x128xi32, #tpu.memory_space<vmem>>
        %dma_start3A_83 = tpu.memref_squeeze %dma_start3A_82 : memref<1x128xi32, #tpu.memory_space<vmem>> -> memref<128xi32, #tpu.memory_space<vmem>>
        %dma_start3A_84 = arith.constant 0 : i32
        %dma_start3A_85 = arith.constant 0 : i32
        %dma_start3A_86 = tpu.memref_slice %arg13[%dma_start3A_84, %dma_start3A_85] : memref<10112x128xf32, #tpu.memory_space<vmem_shared>> -> memref<10112x128xf32, #tpu.memory_space<vmem_shared>>
        tpu.enqueue_indirect_dma source(%arg12 : memref<128x128xf32, #tpu.memory_space<vmem>>) target(%dma_start3A_86 : memref<10112x128xf32, #tpu.memory_space<vmem_shared>>) offsets(%dma_start3A_83 : memref<128xi32, #tpu.memory_space<vmem>>) semaphore(%run_scoped3A : memref<!tpu.dma_semaphore, #tpu.memory_space<semaphore_mem>>) {add = true}
        %dma_wait3A_87 = arith.constant 0 : i32
        %dma_wait3A_88 = tpu.memref_slice %arg8[%add3A_74, %dma_wait3A_87] : memref<104x128xi32, #tpu.memory_space<vmem>> -> memref<1x128xi32, #tpu.memory_space<vmem>>
        %dma_wait3A_89 = tpu.memref_squeeze %dma_wait3A_88 : memref<1x128xi32, #tpu.memory_space<vmem>> -> memref<128xi32, #tpu.memory_space<vmem>>
        %dma_wait3A_90 = arith.constant 0 : i32
        %dma_wait3A_91 = arith.constant 0 : i32
        %dma_wait3A_92 = tpu.memref_slice %arg13[%dma_wait3A_90, %dma_wait3A_91] : memref<10112x128xf32, #tpu.memory_space<vmem_shared>> -> memref<10112x128xf32, #tpu.memory_space<vmem_shared>>
        tpu.wait_indirect_dma semaphore(%run_scoped3A : memref<!tpu.dma_semaphore, #tpu.memory_space<semaphore_mem>>) src(%arg12 : memref<128x128xf32, #tpu.memory_space<vmem>>) dst(%dma_wait3A_92 : memref<10112x128xf32, #tpu.memory_space<vmem_shared>>)
        tpu.yield
      }) : () -> ()
      %add3A_75 = arith.constant 3 : i32
      %add3A_76 = arith.addi %mul3A_63, %add3A_75 : i32
      %lt3A_77 = arith.cmpi slt, %add3A_76, %select_n3A : i32
      %convert_element_type3A_78 = arith.extui %lt3A_77 : i1 to i32
      %cond3A_79 = arith.constant 0 : i32
      %cond3A_80 = arith.cmpi ne, %convert_element_type3A_78, %cond3A_79 : i32
      scf.if %cond3A_80 {
        %add3A_81 = arith.constant 3 : i32
        %add3A_82 = arith.addi %mul3A_63, %add3A_81 : i32
        %mul3A_83 = arith.constant 128 : i32
        %mul3A_84 = arith.muli %add3A_82, %mul3A_83 : i32
        %add3A_85 = arith.addi %mul3A_2, %mul3A_84 : i32
        %dma_start3A_86 = tpu.memref_slice %arg3[%add3A_85] : memref<425984xi32, #tpu.memory_space<hbm>> -> memref<128xi32, #tpu.memory_space<hbm>>
        %dma_start3A_87 = tpu.memref_slice %arg3[%add3A_85] : memref<425984xi32, #tpu.memory_space<hbm>> -> memref<128xi32, #tpu.memory_space<hbm>>
        tpu.enqueue_dma source(%dma_start3A_87 : memref<128xi32, #tpu.memory_space<hbm>>) target(%arg10 : memref<128xi32, #tpu.memory_space<vmem>>) target_semaphore(%arg17 : memref<!tpu.dma_semaphore, #tpu.memory_space<semaphore_mem>>)
        %dma_wait3A_88 = arith.constant 0 : i32
        %dma_wait3A_89 = tpu.memref_slice %arg3[%dma_wait3A_88] : memref<425984xi32, #tpu.memory_space<hbm>> -> memref<128xi32, #tpu.memory_space<hbm>>
        %dma_wait3A_90 = arith.constant 0 : i32
        %dma_wait3A_91 = tpu.memref_slice %arg3[%dma_wait3A_90] : memref<425984xi32, #tpu.memory_space<hbm>> -> memref<128xi32, #tpu.memory_space<hbm>>
        tpu.wait_dma2 semaphore(%arg17 : memref<!tpu.dma_semaphore, #tpu.memory_space<semaphore_mem>>) src(%dma_wait3A_91 : memref<128xi32, #tpu.memory_space<hbm>>) dst(%arg10 : memref<128xi32, #tpu.memory_space<vmem>>)
        %dma_start3A_92 = arith.constant 0 : i32
        %dma_start3A_93 = arith.constant 0 : i32
        %dma_start3A_94 = tpu.memref_slice %arg2[%dma_start3A_92, %dma_start3A_93] : memref<10000x128xf32, #tpu.memory_space<hbm>> -> memref<10000x128xf32, #tpu.memory_space<hbm>>
        tpu.enqueue_indirect_dma source(%dma_start3A_94 : memref<10000x128xf32, #tpu.memory_space<hbm>>) target(%arg12 : memref<128x128xf32, #tpu.memory_space<vmem>>) offsets(%arg10 : memref<128xi32, #tpu.memory_space<vmem>>) semaphore(%arg15 : memref<!tpu.dma_semaphore, #tpu.memory_space<semaphore_mem>>)
      } else {
      }
    }
    %barrier3A_56 = arith.constant 0 : index
    tpu.barrier barrier_id(%barrier3A_56)
    %mul3A_57 = arith.constant 632 : i32
    %mul3A_58 = arith.muli %arg1, %mul3A_57 : i32
    %mul3A_59 = arith.constant 632 : i32
    %mul3A_60 = arith.muli %arg1, %mul3A_59 : i32
    "tpu.region"() ({
      %run_scoped3A = tpu.sem_alloc : memref<!tpu.dma_semaphore, #tpu.memory_space<semaphore_mem>>
      %dma_start3A_61 = arith.constant 0 : i32
      %dma_start3A_62 = tpu.memref_slice %arg7[%arg0, %mul3A_60, %dma_start3A_61] : memref<2x10112x128xf32, #tpu.memory_space<hbm>> -> memref<1x632x128xf32, #tpu.memory_space<hbm>>
      %dma_start3A_63 = tpu.memref_squeeze %dma_start3A_62 : memref<1x632x128xf32, #tpu.memory_space<hbm>> -> memref<632x128xf32, #tpu.memory_space<hbm>>
      %dma_start3A_64 = arith.constant 0 : i32
      %dma_start3A_65 = tpu.memref_slice %arg13[%mul3A_58, %dma_start3A_64] : memref<10112x128xf32, #tpu.memory_space<vmem_shared>> -> memref<632x128xf32, #tpu.memory_space<vmem_shared>>
      tpu.enqueue_dma source(%dma_start3A_65 : memref<632x128xf32, #tpu.memory_space<vmem_shared>>) target(%dma_start3A_63 : memref<632x128xf32, #tpu.memory_space<hbm>>) target_semaphore(%run_scoped3A : memref<!tpu.dma_semaphore, #tpu.memory_space<semaphore_mem>>)
      %dma_wait3A_66 = arith.constant 0 : i32
      %dma_wait3A_67 = tpu.memref_slice %arg7[%arg0, %mul3A_60, %dma_wait3A_66] : memref<2x10112x128xf32, #tpu.memory_space<hbm>> -> memref<1x632x128xf32, #tpu.memory_space<hbm>>
      %dma_wait3A_68 = tpu.memref_squeeze %dma_wait3A_67 : memref<1x632x128xf32, #tpu.memory_space<hbm>> -> memref<632x128xf32, #tpu.memory_space<hbm>>
      %dma_wait3A_69 = arith.constant 0 : i32
      %dma_wait3A_70 = tpu.memref_slice %arg13[%mul3A_58, %dma_wait3A_69] : memref<10112x128xf32, #tpu.memory_space<vmem_shared>> -> memref<632x128xf32, #tpu.memory_space<vmem_shared>>
      tpu.wait_dma2 semaphore(%run_scoped3A : memref<!tpu.dma_semaphore, #tpu.memory_space<semaphore_mem>>) src(%dma_wait3A_70 : memref<632x128xf32, #tpu.memory_space<vmem_shared>>) dst(%dma_wait3A_68 : memref<632x128xf32, #tpu.memory_space<hbm>>)
      tpu.yield
    }) : () -> ()
    return
  }
}

module attributes {stable_mosaic.version = 14 : i64} {
  func.func @_tc1_body(%arg0: memref<2x10112x128xf32, #tpu.memory_space<vmem>>, %arg1: memref<10000x1xf32, #tpu.memory_space<vmem>>, %arg2: memref<10000x128xf32, #tpu.memory_space<vmem>>, %arg3: memref<128x128xf32, #tpu.memory_space<vmem>>, %arg4: memref<1x128xf32, #tpu.memory_space<vmem>>, %arg5: memref<128x128xf32, #tpu.memory_space<vmem>>, %arg6: memref<1x128xf32, #tpu.memory_space<vmem>>, %arg7: memref<1x128xf32, #tpu.memory_space<vmem>>, %arg8: memref<10000x128xf32, #tpu.memory_space<vmem>>) attributes {dimension_semantics = [], scalar_prefetch = 0 : i64, scratch_operands = 0 : i64, tpu.core_type = #tpu.core_type<tc>} {
    %get3A = arith.constant 0 : index
    %get3A_0 = arith.constant 0 : index
    %get3A_1 = arith.constant 0 : index
    %get3A_2 = vector.load %arg0[%get3A, %get3A_0, %get3A_1] : memref<2x10112x128xf32, #tpu.memory_space<vmem>>, vector<1x10000x128xf32>
    %get3A_3 = vector.shape_cast %get3A_2 : vector<1x10000x128xf32> to vector<10000x128xf32>
    %get3A_4 = arith.constant 1 : index
    %get3A_5 = arith.constant 0 : index
    %get3A_6 = arith.constant 0 : index
    %get3A_7 = vector.load %arg0[%get3A_4, %get3A_5, %get3A_6] : memref<2x10112x128xf32, #tpu.memory_space<vmem>>, vector<1x10000x128xf32>
    %get3A_8 = vector.shape_cast %get3A_7 : vector<1x10000x128xf32> to vector<10000x128xf32>
    %add3A = arith.addf %get3A_3, %get3A_8 : vector<10000x128xf32>
    %get3A_9 = arith.constant 0 : index
    %get3A_10 = arith.constant 0 : index
    %get3A_11 = vector.load %arg1[%get3A_9, %get3A_10] : memref<10000x1xf32, #tpu.memory_space<vmem>>, vector<10000x1xf32>
    %mul3A = vector.broadcast %get3A_11 : vector<10000x1xf32> to vector<10000x128xf32>
    %mul3A_12 = arith.mulf %add3A, %mul3A : vector<10000x128xf32>
    %get3A_13 = arith.constant 0 : index
    %get3A_14 = arith.constant 0 : index
    %get3A_15 = vector.load %arg3[%get3A_13, %get3A_14] : memref<128x128xf32, #tpu.memory_space<vmem>>, vector<128x128xf32>
    %dot_general3A = arith.constant dense<0.000000e+00> : vector<10000x128xf32>
    %dot_general3A_16 = tpu.matmul %mul3A_12, %get3A_15, %dot_general3A {dimension_numbers = #tpu.dot_dimension_numbers<[1], [1], [0], [0], [0, 0, 1, 0], [], []>, transpose_lhs_hint = false} : vector<10000x128xf32>, vector<128x128xf32>, vector<10000x128xf32> -> vector<10000x128xf32>
    %get3A_17 = arith.constant 0 : index
    %get3A_18 = arith.constant 0 : index
    %get3A_19 = vector.load %arg4[%get3A_17, %get3A_18] : memref<1x128xf32, #tpu.memory_space<vmem>>, vector<1x128xf32>
    %add3A_20 = vector.broadcast %get3A_19 : vector<1x128xf32> to vector<10000x128xf32>
    %add3A_21 = arith.addf %dot_general3A_16, %add3A_20 : vector<10000x128xf32>
    %get3A_22 = arith.constant 0 : index
    %get3A_23 = arith.constant 0 : index
    %get3A_24 = vector.load %arg2[%get3A_22, %get3A_23] : memref<10000x128xf32, #tpu.memory_space<vmem>>, vector<10000x128xf32>
    %get3A_25 = arith.constant 0 : index
    %get3A_26 = arith.constant 0 : index
    %get3A_27 = vector.load %arg5[%get3A_25, %get3A_26] : memref<128x128xf32, #tpu.memory_space<vmem>>, vector<128x128xf32>
    %dot_general3A_28 = arith.constant dense<0.000000e+00> : vector<10000x128xf32>
    %dot_general3A_29 = tpu.matmul %get3A_24, %get3A_27, %dot_general3A_28 {dimension_numbers = #tpu.dot_dimension_numbers<[1], [1], [0], [0], [0, 0, 1, 0], [], []>, transpose_lhs_hint = false} : vector<10000x128xf32>, vector<128x128xf32>, vector<10000x128xf32> -> vector<10000x128xf32>
    %add3A_30 = arith.addf %add3A_21, %dot_general3A_29 : vector<10000x128xf32>
    %reduce_sum3A = arith.constant dense<0.000000e+00> : vector<128xf32>
    %reduce_sum3A_31 = vector.multi_reduction <add>, %add3A_30, %reduce_sum3A [0] : vector<10000x128xf32> to vector<128xf32>
    %broadcast_in_dim3A = vector.shape_cast %reduce_sum3A_31 : vector<128xf32> to vector<1x128xf32>
    %div3A = arith.constant 1.000000e+04 : f32
    %div3A_32 = vector.broadcast %div3A : f32 to vector<1x128xf32>
    %div3A_33 = arith.divf %broadcast_in_dim3A, %div3A_32 : vector<1x128xf32>
    %sub3A = vector.broadcast %div3A_33 : vector<1x128xf32> to vector<10000x128xf32>
    %sub3A_34 = arith.subf %add3A_30, %sub3A : vector<10000x128xf32>
    %integer_pow3A = arith.mulf %sub3A_34, %sub3A_34 : vector<10000x128xf32>
    %reduce_sum3A_35 = arith.constant dense<0.000000e+00> : vector<128xf32>
    %reduce_sum3A_36 = vector.multi_reduction <add>, %integer_pow3A, %reduce_sum3A_35 [0] : vector<10000x128xf32> to vector<128xf32>
    %broadcast_in_dim3A_37 = vector.shape_cast %reduce_sum3A_36 : vector<128xf32> to vector<1x128xf32>
    %div3A_38 = arith.constant 1.000000e+04 : f32
    %div3A_39 = vector.broadcast %div3A_38 : f32 to vector<1x128xf32>
    %div3A_40 = arith.divf %broadcast_in_dim3A_37, %div3A_39 : vector<1x128xf32>
    %sub3A_41 = vector.broadcast %div3A_33 : vector<1x128xf32> to vector<10000x128xf32>
    %sub3A_42 = arith.subf %add3A_30, %sub3A_41 : vector<10000x128xf32>
    %add3A_43 = arith.constant 9.99999974E-6 : f32
    %add3A_44 = vector.broadcast %add3A_43 : f32 to vector<1x128xf32>
    %add3A_45 = arith.addf %div3A_40, %add3A_44 : vector<1x128xf32>
    %rsqrt3A = math.rsqrt %add3A_45 : vector<1x128xf32>
    %mul3A_46 = vector.broadcast %rsqrt3A : vector<1x128xf32> to vector<10000x128xf32>
    %mul3A_47 = arith.mulf %sub3A_42, %mul3A_46 : vector<10000x128xf32>
    %get3A_48 = arith.constant 0 : index
    %get3A_49 = arith.constant 0 : index
    %get3A_50 = vector.load %arg6[%get3A_48, %get3A_49] : memref<1x128xf32, #tpu.memory_space<vmem>>, vector<1x128xf32>
    %mul3A_51 = vector.broadcast %get3A_50 : vector<1x128xf32> to vector<10000x128xf32>
    %mul3A_52 = arith.mulf %mul3A_47, %mul3A_51 : vector<10000x128xf32>
    %get3A_53 = arith.constant 0 : index
    %get3A_54 = arith.constant 0 : index
    %get3A_55 = vector.load %arg7[%get3A_53, %get3A_54] : memref<1x128xf32, #tpu.memory_space<vmem>>, vector<1x128xf32>
    %add3A_56 = vector.broadcast %get3A_55 : vector<1x128xf32> to vector<10000x128xf32>
    %add3A_57 = arith.addf %mul3A_52, %add3A_56 : vector<10000x128xf32>
    %max3A = arith.constant 0.000000e+00 : f32
    %max3A_58 = vector.broadcast %max3A : f32 to vector<10000x128xf32>
    %max3A_59 = arith.maximumf %add3A_57, %max3A_58 : vector<10000x128xf32>
    %swap3A = arith.constant 0 : index
    %swap3A_60 = arith.constant 0 : index
    %swap3A_61 = vector.load %arg8[%swap3A, %swap3A_60] : memref<10000x128xf32, #tpu.memory_space<vmem>>, vector<10000x128xf32>
    tpu.vector_store %arg8[%swap3A, %swap3A_60], %max3A_59 {strides = array<i32>} : memref<10000x128xf32, #tpu.memory_space<vmem>>, vector<10000x128xf32>,
    return
  }
}

module attributes {stable_mosaic.version = 14 : i64} {
  func.func @_tc2_body(%arg0: memref<2x10112x128xf32, #tpu.memory_space<vmem>>, %arg1: memref<10000x1xf32, #tpu.memory_space<vmem>>, %arg2: memref<10000x128xf32, #tpu.memory_space<vmem>>, %arg3: memref<128x128xf32, #tpu.memory_space<vmem>>, %arg4: memref<1x128xf32, #tpu.memory_space<vmem>>, %arg5: memref<128x128xf32, #tpu.memory_space<vmem>>, %arg6: memref<1x128xf32, #tpu.memory_space<vmem>>, %arg7: memref<1x128xf32, #tpu.memory_space<vmem>>, %arg8: memref<40x128xf32, #tpu.memory_space<vmem>>, %arg9: memref<1x40xf32, #tpu.memory_space<vmem>>, %arg10: memref<10000x40xf32, #tpu.memory_space<vmem>>) attributes {dimension_semantics = [], scalar_prefetch = 0 : i64, scratch_operands = 0 : i64, tpu.core_type = #tpu.core_type<tc>} {
    %get3A = arith.constant 0 : index
    %get3A_0 = arith.constant 0 : index
    %get3A_1 = arith.constant 0 : index
    %get3A_2 = vector.load %arg0[%get3A, %get3A_0, %get3A_1] : memref<2x10112x128xf32, #tpu.memory_space<vmem>>, vector<1x10000x128xf32>
    %get3A_3 = vector.shape_cast %get3A_2 : vector<1x10000x128xf32> to vector<10000x128xf32>
    %get3A_4 = arith.constant 1 : index
    %get3A_5 = arith.constant 0 : index
    %get3A_6 = arith.constant 0 : index
    %get3A_7 = vector.load %arg0[%get3A_4, %get3A_5, %get3A_6] : memref<2x10112x128xf32, #tpu.memory_space<vmem>>, vector<1x10000x128xf32>
    %get3A_8 = vector.shape_cast %get3A_7 : vector<1x10000x128xf32> to vector<10000x128xf32>
    %add3A = arith.addf %get3A_3, %get3A_8 : vector<10000x128xf32>
    %get3A_9 = arith.constant 0 : index
    %get3A_10 = arith.constant 0 : index
    %get3A_11 = vector.load %arg1[%get3A_9, %get3A_10] : memref<10000x1xf32, #tpu.memory_space<vmem>>, vector<10000x1xf32>
    %mul3A = vector.broadcast %get3A_11 : vector<10000x1xf32> to vector<10000x128xf32>
    %mul3A_12 = arith.mulf %add3A, %mul3A : vector<10000x128xf32>
    %get3A_13 = arith.constant 0 : index
    %get3A_14 = arith.constant 0 : index
    %get3A_15 = vector.load %arg3[%get3A_13, %get3A_14] : memref<128x128xf32, #tpu.memory_space<vmem>>, vector<128x128xf32>
    %dot_general3A = arith.constant dense<0.000000e+00> : vector<10000x128xf32>
    %dot_general3A_16 = tpu.matmul %mul3A_12, %get3A_15, %dot_general3A {dimension_numbers = #tpu.dot_dimension_numbers<[1], [1], [0], [0], [0, 0, 1, 0], [], []>, transpose_lhs_hint = false} : vector<10000x128xf32>, vector<128x128xf32>, vector<10000x128xf32> -> vector<10000x128xf32>
    %get3A_17 = arith.constant 0 : index
    %get3A_18 = arith.constant 0 : index
    %get3A_19 = vector.load %arg4[%get3A_17, %get3A_18] : memref<1x128xf32, #tpu.memory_space<vmem>>, vector<1x128xf32>
    %add3A_20 = vector.broadcast %get3A_19 : vector<1x128xf32> to vector<10000x128xf32>
    %add3A_21 = arith.addf %dot_general3A_16, %add3A_20 : vector<10000x128xf32>
    %get3A_22 = arith.constant 0 : index
    %get3A_23 = arith.constant 0 : index
    %get3A_24 = vector.load %arg2[%get3A_22, %get3A_23] : memref<10000x128xf32, #tpu.memory_space<vmem>>, vector<10000x128xf32>
    %get3A_25 = arith.constant 0 : index
    %get3A_26 = arith.constant 0 : index
    %get3A_27 = vector.load %arg5[%get3A_25, %get3A_26] : memref<128x128xf32, #tpu.memory_space<vmem>>, vector<128x128xf32>
    %dot_general3A_28 = arith.constant dense<0.000000e+00> : vector<10000x128xf32>
    %dot_general3A_29 = tpu.matmul %get3A_24, %get3A_27, %dot_general3A_28 {dimension_numbers = #tpu.dot_dimension_numbers<[1], [1], [0], [0], [0, 0, 1, 0], [], []>, transpose_lhs_hint = false} : vector<10000x128xf32>, vector<128x128xf32>, vector<10000x128xf32> -> vector<10000x128xf32>
    %add3A_30 = arith.addf %add3A_21, %dot_general3A_29 : vector<10000x128xf32>
    %reduce_sum3A = arith.constant dense<0.000000e+00> : vector<128xf32>
    %reduce_sum3A_31 = vector.multi_reduction <add>, %add3A_30, %reduce_sum3A [0] : vector<10000x128xf32> to vector<128xf32>
    %broadcast_in_dim3A = vector.shape_cast %reduce_sum3A_31 : vector<128xf32> to vector<1x128xf32>
    %div3A = arith.constant 1.000000e+04 : f32
    %div3A_32 = vector.broadcast %div3A : f32 to vector<1x128xf32>
    %div3A_33 = arith.divf %broadcast_in_dim3A, %div3A_32 : vector<1x128xf32>
    %sub3A = vector.broadcast %div3A_33 : vector<1x128xf32> to vector<10000x128xf32>
    %sub3A_34 = arith.subf %add3A_30, %sub3A : vector<10000x128xf32>
    %integer_pow3A = arith.mulf %sub3A_34, %sub3A_34 : vector<10000x128xf32>
    %reduce_sum3A_35 = arith.constant dense<0.000000e+00> : vector<128xf32>
    %reduce_sum3A_36 = vector.multi_reduction <add>, %integer_pow3A, %reduce_sum3A_35 [0] : vector<10000x128xf32> to vector<128xf32>
    %broadcast_in_dim3A_37 = vector.shape_cast %reduce_sum3A_36 : vector<128xf32> to vector<1x128xf32>
    %div3A_38 = arith.constant 1.000000e+04 : f32
    %div3A_39 = vector.broadcast %div3A_38 : f32 to vector<1x128xf32>
    %div3A_40 = arith.divf %broadcast_in_dim3A_37, %div3A_39 : vector<1x128xf32>
    %sub3A_41 = vector.broadcast %div3A_33 : vector<1x128xf32> to vector<10000x128xf32>
    %sub3A_42 = arith.subf %add3A_30, %sub3A_41 : vector<10000x128xf32>
    %add3A_43 = arith.constant 9.99999974E-6 : f32
    %add3A_44 = vector.broadcast %add3A_43 : f32 to vector<1x128xf32>
    %add3A_45 = arith.addf %div3A_40, %add3A_44 : vector<1x128xf32>
    %rsqrt3A = math.rsqrt %add3A_45 : vector<1x128xf32>
    %mul3A_46 = vector.broadcast %rsqrt3A : vector<1x128xf32> to vector<10000x128xf32>
    %mul3A_47 = arith.mulf %sub3A_42, %mul3A_46 : vector<10000x128xf32>
    %get3A_48 = arith.constant 0 : index
    %get3A_49 = arith.constant 0 : index
    %get3A_50 = vector.load %arg6[%get3A_48, %get3A_49] : memref<1x128xf32, #tpu.memory_space<vmem>>, vector<1x128xf32>
    %mul3A_51 = vector.broadcast %get3A_50 : vector<1x128xf32> to vector<10000x128xf32>
    %mul3A_52 = arith.mulf %mul3A_47, %mul3A_51 : vector<10000x128xf32>
    %get3A_53 = arith.constant 0 : index
    %get3A_54 = arith.constant 0 : index
    %get3A_55 = vector.load %arg7[%get3A_53, %get3A_54] : memref<1x128xf32, #tpu.memory_space<vmem>>, vector<1x128xf32>
    %add3A_56 = vector.broadcast %get3A_55 : vector<1x128xf32> to vector<10000x128xf32>
    %add3A_57 = arith.addf %mul3A_52, %add3A_56 : vector<10000x128xf32>
    %max3A = arith.constant 0.000000e+00 : f32
    %max3A_58 = vector.broadcast %max3A : f32 to vector<10000x128xf32>
    %max3A_59 = arith.maximumf %add3A_57, %max3A_58 : vector<10000x128xf32>
    %get3A_60 = arith.constant 0 : index
    %get3A_61 = arith.constant 0 : index
    %get3A_62 = vector.load %arg8[%get3A_60, %get3A_61] : memref<40x128xf32, #tpu.memory_space<vmem>>, vector<40x128xf32>
    %dot_general3A_63 = arith.constant dense<0.000000e+00> : vector<10000x40xf32>
    %dot_general3A_64 = tpu.matmul %max3A_59, %get3A_62, %dot_general3A_63 {dimension_numbers = #tpu.dot_dimension_numbers<[1], [1], [0], [0], [0, 0, 1, 0], [], []>, transpose_lhs_hint = false} : vector<10000x128xf32>, vector<40x128xf32>, vector<10000x40xf32> -> vector<10000x40xf32>
    %get3A_65 = arith.constant 0 : index
    %get3A_66 = arith.constant 0 : index
    %get3A_67 = vector.load %arg9[%get3A_65, %get3A_66] : memref<1x40xf32, #tpu.memory_space<vmem>>, vector<1x40xf32>
    %add3A_68 = vector.broadcast %get3A_67 : vector<1x40xf32> to vector<10000x40xf32>
    %add3A_69 = arith.addf %dot_general3A_64, %add3A_68 : vector<10000x40xf32>
    %swap3A = arith.constant 0 : index
    %swap3A_70 = arith.constant 0 : index
    %swap3A_71 = vector.load %arg10[%swap3A, %swap3A_70] : memref<10000x40xf32, #tpu.memory_space<vmem>>, vector<10000x40xf32>
    tpu.vector_store %arg10[%swap3A, %swap3A_70], %add3A_69 {strides = array<i32>} : memref<10000x40xf32, #tpu.memory_space<vmem>>, vector<10000x40xf32>,
    return
  }
}

</mosaic_0001>

<sc_bundles>
// kernel: kernel.6.cloned.1.call-start
scs
__scs_entry_jumppad:
0x0: {  	(pc) =	sbr.rel $0x88, $3  }
0x1: {  	(tag) =	ssettag $0x0;
	lr =	simm.s32 $0x1  }
0x2: {  	[smem:$0x3F93] =	sst lr;
	_ =	strace $0xD0000000  }
0x3: {  	_ = 	snop  }
0x4: {  	_ = 	snop  }
0x5: {  	_ = 	snop  }
0x6: {  	_ = 	snop  }
0x7: {  	_ = 	snop  }
__scs_overlays_trampoline_lowered:
0x8: {  	[smem:$0x3FA2] =	sst s0  }
0x9: {  	[smem:$0x3FA3] =	sst s1  }
0xa: {  	[smem:$0x3FA4] =	sst s2  }
0xb: {  	[smem:$0x3FA5] =	sst s3  }
0xc: {  	[smem:$0x3FA6] =	sst s4  }
0xd: {  	[smem:$0x3FA7] =	sst s5  }
0xe: {  	[smem:$0x3FA8] =	sst s6  }
0xf: {  	[smem:$0x3FA9] =	sst s7  }
0x10: {  	[smem:$0x3FAA] =	sst s8  }
0x11: {  	[smem:$0x3FAB] =	sst s9;
	s0 =	simm.s32 @!p0 $0x0  }
0x12: {  	s1 =	sld [smem:$0x3F91];
	s0 =	simm.s32 @p0 $0x1  }
0x13: {  	[smem:$0x3FAC] =	sst s0;
	s0 =	simm.s32 @!p1 $0x0  }
0x14: {  	s2 =	sld [smem:$0x3F90];
	s0 =	simm.s32 @p1 $0x1  }
0x15: {  	[smem:$0x3FAD] =	sst s0;
	s0 =	simm.s32 @!p2 $0x0  }
0x16: {  	s3 =	sld [smem:$0x3FDB];
	s0 =	simm.s32 @p2 $0x1  }
0x17: {  	s4 =	simm.s32 $0x1BF5;
	[smem:$0x3FAF] =	sst s0  }
0x18: {  	s0 =	sld [smem:$0x3F92];
	_ =	swait.ge [sflag:s4], $0x0  }
0x19: {  	s7 =	sld [smem:$0x3F93]  }
0x1a: {  	s8 =	sadd.s32 $0xFFFFE003, lr  }
0x1b: {  	s9 =	sadd.s32 $0xFFFFFEF7, lr;
	s5 =	simm.s32 $0xFFFFFFFF;
	p2 =	slt.u32 s8, $0xFFFFF086  }
0x1c: {  	p1 =	slt.u32 s9, $0xF7A;
	s5 =	simm.s32 @!p2 $0x0  }
0x1d: {  	s5 =	simm.s32 @p1 $0x1;
	p0 =	seq.s32 s7, s2  }
0x1e: {  	s7 =	smul.u32 @!p0 $0xF7A, s2;
	p2 =	seq.s32 @!p0 s5, $0x0  }
0x1f: {  	s9 =	smul.u32 $0xF7A, s1;
	s8 =	simm.s32 @!p0 $0x1BF5;
	p2 =	por !p2, p0  }
0x20: {  	[sflag:s8] =	ssyncset.s32 @!p0 $0xFFFFF086;
	s6 =	sadd.s32 @!p0 s3, s7;
	s7 =	simm.s32 @!p0 $0x108  }
0x21: {  	s3 =	sadd.s32 s3, s9;
	s6 =	sadd.s32 @!p0 $0x88, s6;
	s7 =	simm.s32 @p2 $0x1082  }
0x22: {  	[simem:s7], [sflag:s8] =	dma.local @!p0 [hbm:s6], $0xF7A  }
0x23: {  	s9 =	sor.u32 $0xD0000000, s2;
	s6 =	simm.s32 $0x108;
	_ =	swait.ge @!p0 [sflag:s8], $0x0  }
0x24: {  	s3 =	sadd.s32 $0x88, s3;
	s6 =	simm.s32 @!p1 $0x1082;
	[sflag:s4] =	ssyncset.s32 $0xFFFFF086  }
0x25: {  	[simem:s6], [sflag:s4] =	dma.local [hbm:s3], $0xF7A  }
0x26: {  	[smem:$0x3F93] =	sst s1;
	(tag) =	ssettag s2;
	_ =	strace s9  }
0x27: {  	s1 =	sld [smem:$0x3FA3]  }
0x28: {  	s2 =	sld [smem:$0x3FA4]  }
0x29: {  	s4 =	sld [smem:$0x3FA6]  }
0x2a: {  	p0 =	seq.s32 s5, $0x0;
	s5 =	sld [smem:$0x3FA7]  }
0x2b: {  	s6 =	sld [smem:$0x3FA8]  }
0x2c: {  	s7 =	sld [smem:$0x3FA9]  }
0x2d: {  	s3 =	simm.s32 $0x108;
	s8 =	sld [smem:$0x3FAA]  }
0x2e: {  	s3 =	simm.s32 @!p0 $0x1082;
	s9 =	sld [smem:$0x3FAB]  }
0x2f: {  	lr =	sadd.s32 s0, s3;
	s0 =	sld [smem:$0x3FA2]  }
0x30: {  	s3 =	sld [smem:$0x3FA5]  }
0x31: {  	[smem:$0x3FAE] =	sst s10  }
0x32: {  	s10 =	sld [smem:$0x3FAC];
	_ =	sdelay $0x3  }
0x33: {  	p0 =	seq.s32 s10, $0x1;
	s10 =	sld [smem:$0x3FAE];
	_ =	sdelay $0x3  }
0x34: {  	[smem:$0x3FAE] =	sst s10  }
0x35: {  	s10 =	sld [smem:$0x3FAD];
	_ =	sdelay $0x3  }
0x36: {  	p1 =	seq.s32 s10, $0x1;
	s10 =	sld [smem:$0x3FAE];
	_ =	sdelay $0x3  }
0x37: {  	[smem:$0x3FAE] =	sst s10  }
0x38: {  	s10 =	sld [smem:$0x3FAF]  }
0x39: {  	_ = 	snop;
	(pc) =	sbr.ind lr, $3  }
0x3a: {  	_ = 	snop  }
0x3b: {  	_ = 	snop  }
0x3c: {  	p2 =	seq.s32 s10, $0x1;
	s10 =	sld [smem:$0x3FAE]  }
0x3d: {  	_ =	shalt  }
0x3e: {  	_ =	shalt  }
0x3f: {  	_ =	shalt  }
0x40: {  	_ =	shalt  }
0x41: {  	_ =	shalt  }
0x42: {  	_ =	shalt  }
0x43: {  	_ =	shalt  }
0x44: {  	_ =	shalt  }
0x45: {  	_ =	shalt  }
0x46: {  	_ =	shalt  }
0x47: {  	_ =	shalt  }
0x48: {  	_ =	shalt  }
0x49: {  	_ =	shalt  }
0x4a: {  	_ =	shalt  }
0x4b: {  	_ =	shalt  }
0x4c: {  	_ =	shalt  }
0x4d: {  	_ =	shalt  }
0x4e: {  	_ =	shalt  }
0x4f: {  	_ =	shalt  }
0x50: {  	_ =	shalt  }
0x51: {  	_ =	shalt  }
0x52: {  	_ =	shalt  }
0x53: {  	_ =	shalt  }
0x54: {  	_ =	shalt  }
0x55: {  	_ =	shalt  }
0x56: {  	_ =	shalt  }
0x57: {  	_ =	shalt  }
0x58: {  	_ =	shalt  }
0x59: {  	_ =	shalt  }
0x5a: {  	_ =	shalt  }
0x5b: {  	_ =	shalt  }
0x5c: {  	_ =	shalt  }
0x5d: {  	_ =	shalt  }
0x5e: {  	_ =	shalt  }
0x5f: {  	_ =	shalt  }
0x60: {  	_ =	shalt  }
0x61: {  	_ =	shalt  }
0x62: {  	_ =	shalt  }
0x63: {  	_ =	shalt  }
0x64: {  	_ =	shalt  }
0x65: {  	_ =	shalt  }
0x66: {  	_ =	shalt  }
0x67: {  	_ =	shalt  }
0x68: {  	_ =	shalt  }
0x69: {  	_ =	shalt  }
0x6a: {  	_ =	shalt  }
0x6b: {  	_ =	shalt  }
0x6c: {  	_ =	shalt  }
0x6d: {  	_ =	shalt  }
0x6e: {  	_ =	shalt  }
0x6f: {  	_ =	shalt  }
0x70: {  	_ =	shalt  }
0x71: {  	_ =	shalt  }
0x72: {  	_ =	shalt  }
0x73: {  	_ =	shalt  }
0x74: {  	_ =	shalt  }
0x75: {  	_ =	shalt  }
0x76: {  	_ =	shalt  }
0x77: {  	_ =	shalt  }
0x78: {  	_ =	shalt  }
0x79: {  	_ =	shalt  }
0x7a: {  	_ =	shalt  }
0x7b: {  	_ =	shalt  }
0x7c: {  	_ =	shalt  }
0x7d: {  	_ =	shalt  }
0x7e: {  	_ =	shalt  }
0x7f: {  	_ =	shalt  }
0x80: {  	_ =	shalt  }
0x81: {  	_ =	shalt  }
0x82: {  	_ =	shalt  }
0x83: {  	_ =	shalt  }
0x84: {  	_ =	shalt  }
0x85: {  	_ =	shalt  }
0x86: {  	_ =	shalt  }
0x87: {  	_ =	shalt  }
.Lfunc_end0:
.L_simem_size_0:
called_computation_lowered:
.L_overlay_start_0:
0x88: {  	s2 =	sld [smem:$0x3FD9]  }
0x89: {  	s3 =	sld [smem:$0x3FFE];
	_ =	sdelay $0x1  }
0x8a: {  	s1 =	srdreg.scid  }
0x8b: {  	s0 =	sand.u32 $0x1, s1  }
0x8c: {  	s17 =	sshll.u32 s0, $0xA;
	s2 =	sadd.s32 s3, s2  }
0x8d: {  	s2 =	sadd.s32 s2, s17  }
0x8e: {  	[smem:$0x3FBA] =	sst s2  }
0x8f: {  	_ = 	snop  }
0x90: {  	s2 =	sld [smem:$0x3FC9]  }
0x91: {  	s18 =	sld [smem:$0x3FD0];
	(tm) =	ssettm $0x1  }
0x92: {  	s4 =	sld [smem:$0x3FFB];
	_ =	sdelay $0x3  }
0x93: {  	_ =	strace s4  }
0x94: {  	s4 =	sld [smem:$0x3FFC];
	_ =	sdelay $0x3  }
0x95: {  	_ =	strace s4  }
0x96: {  	s4 =	sld [smem:$0x3FFD];
	_ =	sdelay $0x3  }
0x97: {  	_ =	strace s4  }
0x98: {  	_ =	strace $0x8FFFFFFF  }
0x99: {  	s19 =	sld [smem:$0x3FDB];
	_ =	sdelay $0x1  }
0x9a: {  	s5 =	simm.s32 $_scs_section_size  }
0x9b: {  	s6 =	simm.s32 $_size__tile_overlayer_lowered;
	s7 =	simm.s32 $_tile_overlayer_lowered  }
0x9c: {  	s22 =	simm.s32 $0x1BFF;
	s21 =	sshll.u32 s7, $0x1;
	s4 =	sadd.s32 s5, s19  }
0x9d: {  	s8 =	simm.s32 $0x0;
	s20 =	sshll.u32 s6, $0x1;
	s6 =	sadd.s32 s21, s4  }
0x9e: {  	[timem:s8], [sflag:s22] =	dma.local [hbm:s6], s20  }
0x9f: {  	_ =	swait.ge [sflag:s22], s20  }
0xa0: {  	s5 =	ssub.s32 $0x0, s20;
	[sflag:s22] =	ssyncset.done $0x0  }
0xa1: {  	[sflag:s22] =	ssyncadd.s32 s5;
	_ =	sdelay $0x1  }
0xa2: {  	s23 =	simm.s32 $0x1B8B  }
0xa3: {  	_ =	swait.ge [sflag:s23], $0x1  }
0xa4: {  	[sflag:s23] =	ssyncset.done $0x0  }
0xa5: {  	s25 =	simm.s32 $0x1B8E;
	s24 =	sld [smem:$0x3FFE];
	[sflag:s23] =	ssyncadd.s32 $0xFFFFFFFF  }
0xa6: {  	s26 =	simm.s32 $execute0_lowered;
	[smem:$0x3FD2] =	sst s25  }
0xa7: {  	s6 =	sshll.u32 s26, $0x1;
	_ =	strace $0x80000046;
	[dreg:$0x1] =	wrdreg $0xFFFFFFFF  }
0xa8: {  	s28 =	simm.s32 $_size_execute0_lowered;
	s4 =	sadd.s32 s4, s6;
	[dreg:$0x0] =	wrdreg $0x0  }
0xa9: {  	s6 =	sshll.u32 s28, $0x1;
	[dreg:$0x2] =	wrdreg s4  }
0xaa: {  	[dreg:$0x3] =	wrdreg s6  }
0xab: {  	[dreg:$0x4] =	wrdreg $0xC0  }
0xac: {  	_ =	task [dreg:s8], $0x5FFFF  }
0xad: {  	[dreg:$0x1] =	wrdreg $0xFFFFFFFF  }
0xae: {  	[dreg:$0x0] =	wrdreg $0x60  }
0xaf: {  	[dreg:$0x2] =	wrdreg s2  }
0xb0: {  	[dreg:$0x3] =	wrdreg s24  }
0xb1: {  	[dreg:$0x4] =	wrdreg s18  }
0xb2: {  	[dreg:$0x5] =	wrdreg $0xB5000  }
0xb3: {  	[dreg:$0x6] =	wrdreg $0x1F1800  }
0xb4: {  	[dreg:$0x7] =	wrdreg $0x9  }
0xb5: {  	_ =	task.clear_ibuf [dreg:s8], $0x8FFFF;
	_ =	strace $0x90000046  }
0xb6: {  	s29 =	simm.s32 $0x9;
	_ =	strace $0x80000048  }
0xb7: {  	_ =	swait.ge [sflag:s29], $0x1  }
0xb8: {  	[sflag:s29] =	ssyncadd.s32 $0xFFFFFFFF  }
0xb9: {  	_ =	strace $0x90000048  }
0xba: {  	_ =	sfence  }
0xbb: {  	s30 =	sld [smem:$0x0];
	_ =	sdelay $0x2  }
0xbc: {  	s31 =	sshll.u32 s1, $0xD;
	s1 =	sshrl.u32 s1, $0x2  }
0xbd: {  	s3 =	sand.u32 $0x4000, s31;
	s1 =	sadd.s32 s1, s30  }
0xbe: {  	s0 =	sor.u32 s3, s0;
	s1 =	sshll.u32 s1, $0x11  }
0xbf: {  	s0 =	sor.u32 s1, s0  }
0xc0: {  	s0 =	sadd.s32 $0x8F2B, s0  }
0xc1: {  	[sflag:s0] =	ssyncadd.remote.s32 $0x1  }
0xc2: {  	_ =	sfence.sel $0xFFFF  }
0xc3: {  	[dreg:$0x0] =	wrdreg $0xFFFFFFFF;
	(pc) =	sbr.abs _section_cstart, $3  }
0xc4: {  	[dreg:$0x1] =	wrdreg $0xFFFFFFFF  }
0xc5: {  	_ =	task.clear_ibuf [dreg:s8], $0x2FFFF;
	_ =	strace $0x9FFFFFFF  }
0xc6: {  	(tm) =	ssettm $0x7FFFFFFF  }
0xc7: {  	_ =	shalt  }
tec
execute0_lowered:
.L_overlay_start_1:
0x0: {  	(tag) =	ssettag $0x1  }
0x1: {  	s1 =	rddreg [dreg:$0x0]  }
0x2: {  	s0 =	rddreg [dreg:$0x1]  }
0x3: {  	s2 =	rddreg [dreg:$0x2]  }
0x4: {  	s4 =	srdreg.scid;
	s17 =	stileid.u32  }
0x5: {  	s3 =	rddreg [dreg:$0x3];
	s8 =	smul.u32 $0x13C00, s17  }
0x6: {  	s28 =	simm.s32 $0x7500;
	s29 =	simm.s32 $0x1;
	s13 =	smul.u32 $0x278, s17  }
0x7: {  	s30 =	simm.s32 $0x80;
	s31 =	simm.s32 $0x1F100;
	s16 =	smul.u32 $0x4F000, s17  }
0x8: {  	s7 =	sand.u32 $0x1, s4;
	s5 =	sshll.u32 s17, $0x1;
	s26 =	smul.u32 $0x6800, s17  }
0x9: {  	s4 =	rddreg [dreg:$0x4];
	s9 =	sadd.s32 $0xFE00, s0;
	s10 =	smul.u32 $0x13C000, s7  }
0xa: {  	s6 =	sor.u32 s7, s5;
	s5 =	simm.s32 $0x0;
	s24 =	smul.u32 $0x2780, s7  }
0xb: {  	s23 =	ssub.s32 $0x2, s7;
	p0 =	seq.s32 s7, $0x0;
	s7 =	smul.u32 $0x3400, s7  }
0xc: {  	s6 =	smul.u32 $0x3400, s6;
	[smem:$0x7FF] =	sst s5;
	s20 =	sshrl.u32 s8, $0x3  }
0xd: {  	s22 =	sshrl.u32 s13, $0x3;
	s15 =	sshrl.u32 s23, $0x1;
	s25 =	sshrl.u32 s16, $0x2  }
0xe: {  	_ =	strace $0x80000047;
	s14 =	sadd.s32 s20, s0;
	s21 =	sadd.s32 s8, s10  }
0xf: {  	s8 =	sadd.s32 s22, s0;
	s10 =	ssub.s32 s23, s15;
	s18 =	sadd.s32 s13, s24  }
0x10: {  	s7 =	sadd.s32 s7, s26;
	s12 =	sshrl.u32 s6, $0x3;
	s6 =	sshrl.u32 s21, $0x3  }
0x11: {  	s14 =	sadd.s32 $0x1D400, s14;
	s8 =	sadd.s32 $0x1CE00, s8;
	s19 =	sshrl.u32 s18, $0x3  }
0x12: {  	s20 =	sor.u32 $0x280, s7;
	s23 =	smax.u32 s10, $0x1;
	s26 =	sor.u32 $0x100, s7  }
0x13: {  	s11 =	sadd.s32 s12, s0;
	s0 =	sadd.s32 s6, s0;
	[dreg:$0x9] =	wrdreg s14  }
0x14: {  	s6 =	simm.s32 $0x68;
	[dreg:$0xa] =	wrdreg s8;
	s17 =	sadd.s32 s9, s12  }
0x15: {  	s22 =	sshrl.u32 s20, $0x3;
	[dreg:$0xf] =	wrdreg s23;
	s23 =	simm.s32 $0x3400  }
0x16: {  	s6 =	simm.s32 @!p0 $0x36;
	s11 =	sadd.s32 $0x2E00, s11;
	[dreg:$0xb] =	wrdreg s17  }
0x17: {  	s8 =	sadd.s32 $0x10, s17;
	s0 =	sadd.s32 $0x44C00, s0;
	[dreg:$0x7] =	wrdreg s11  }
0x18: {  	s24 =	sadd.s32 s22, s9;
	s22 =	simm.s32 $0x1F3F8;
	[dreg:$0xc] =	wrdreg s8  }
0x19: {  	s11 =	sadd.s32 s25, s3;
	[dreg:$0xd] =	wrdreg s0;
	s0 =	sadd.s32 s2, s19  }
0x1a: {  	s21 =	sshll.u32 s6, $0x4;
	s25 =	sor.u32 $0x200, s7;
	s2 =	sshrl.u32 s26, $0x3  }
0x1b: {  	s7 =	sor.u32 $0x180, s7;
	s26 =	simm.s32 $0x4;
	[dreg:$0x8] =	wrdreg s11  }
0x1c: {  	s11 =	sadd.s32 s13, s4;
	[dreg:$0xe] =	wrdreg s0;
	s17 =	sadd.s32 $0xFFFFFFE0, s21  }
0x1d: {  	s0 =	sadd.s32 $0xFFFFFFE0, s24;
	s2 =	sadd.s32 s2, s9;
	s7 =	sshrl.u32 s7, $0x3  }
0x1e: {  	s21 =	simm.s32 $0x5;
	[dreg:$0x10] =	wrdreg s0;
	s0 =	sshrl.u32 s25, $0x3  }
0x1f: {  	s24 =	simm.s32 $0x3500;
	[dreg:$0x6] =	wrdreg s2;
	s0 =	sadd.s32 s0, s9  }
0x20: {  	s20 =	sadd.s32 s7, s9;
	s25 =	simm.s32 $0x3480;
	s0 =	sadd.s32 $0xFFFFFFE0, s0  }
0x21: {  	v0 =	vimm.f32 $1.000000000e+00;
	s2 =	simm.s32 $0x2;
	[dreg:$0x11] =	wrdreg s0;
	s0 =	simm.s32 $0x0  }
.LBB2_1:
0x22: {  	s7 =	rddreg [dreg:$0x7];
	s15 =	stileid.u32  }
0x23: {  	[tilespmem:s5], [sflag:$0x5] =	stream.linear.gather [hbm4b:s7+s5], $0x3400, $0x38;
	[tilespmem:$0x1F678] =	vst v63  }
0x24: {  	s7 =	sshll.u32 s15, $0x6;
	_ =	swait.ge [sflag:s21], $0x3400  }
0x25: {  	s7 =	sor.u32 $0x1C05, s7;
	[sflag:s21] =	ssyncset.done $0x0;
	s8 =	rddreg [dreg:$0x8]  }
0x26: {  	s9 =	rddreg [dreg:$0x9];
	[sflag:s21] =	ssyncadd.s32 $0xFFFFCC00;
	s8 =	sshrl.u32 s8, $0x3  }
0x27: {  	[spmem:s8], [sflag:s7] =	dma.local [hbm:s9], $0x2780  }
0x28: {  	_ =	swait.ge [sflag:s21], $0x2780  }
0x29: {  	[sflag:s21] =	ssyncset.done $0x0  }
0x2a: {  	s16 =	rddreg [dreg:$0xa];
	[sflag:s21] =	ssyncadd.s32 $0xFFFFD880  }
0x2b: {  	[tilespmem:s22], [sflag:$0x5] =	stream.linear.gather [hbm4b:s16+s5], $0x278, $0x38;
	[tilespmem:$0x1F678] =	vst v63  }
0x2c: {  	_ =	swait.ge [sflag:s21], $0x278  }
0x2d: {  	[sflag:s21] =	ssyncset.done $0x0  }
0x2e: {  	[sflag:s21] =	ssyncadd.s32 $0xFFFFFD88  }
0x2f: {  	[spmem:s11] =	stream.linear.scatter [tilespmem:s22], [sflag:$0x5], $0x278, $0x38;
	[tilespmem:$0x1F678] =	vst v63  }
0x30: {  	_ =	swait.ge [sflag:s21], $0x278  }
0x31: {  	[sflag:s21] =	ssyncset.done $0x0  }
0x32: {  	[sflag:s21] =	ssyncadd.s32 $0xFFFFFD88  }
0x33: {  	[tilespmem:$0x1F100] =	vst v0  }
0x34: {  	[tilespmem:$0x1F110] =	vst v0  }
0x35: {  	[tilespmem:$0x1F120] =	vst v0  }
0x36: {  	[tilespmem:$0x1F130] =	vst v0  }
0x37: {  	[tilespmem:$0x1F140] =	vst v0  }
0x38: {  	[tilespmem:$0x1F150] =	vst v0  }
0x39: {  	[tilespmem:$0x1F160] =	vst v0  }
0x3a: {  	[tilespmem:$0x1F170] =	vst v0  }
0x3b: {  	[bflag:$0x0] =	sbarrier.arrive $0xFFFF  }
0x3c: {  	s9 =	simm.s32 $0x3;
	s18 =	rddreg [dreg:$0xb]  }
0x3d: {  	[tilespmem:s23], [sflag:$0x3] =	stream.linear.gather [hbm4b:s18+s5], $0x80, $0x38;
	[tilespmem:$0x1F678] =	vst v63  }
0x3e: {  	_ =	swait.ge [sflag:s9], $0x80  }
0x3f: {  	[sflag:s9] =	ssyncset.done $0x0  }
0x40: {  	[sflag:s9] =	ssyncadd.s32 $0xFFFFFF80  }
0x41: {  	[tilespmem:s24], [sflag:$0x1] =	stream.indirect.gather [hbm4b:s1+s30], $0x80, s23, s30, $0xb8;
	[tilespmem:$0x1F678] =	vst v63  }
0x42: {  	s10 =	rddreg [dreg:$0xc]  }
0x43: {  	[tilespmem:s25], [sflag:$0x4] =	stream.linear.gather [hbm4b:s10+s5], $0x80, $0x38;
	[tilespmem:$0x1F678] =	vst v63  }
0x44: {  	_ =	swait.ge [sflag:s26], $0x80  }
0x45: {  	[sflag:s26] =	ssyncset.done $0x0  }
0x46: {  	[sflag:s26] =	ssyncadd.s32 $0xFFFFFF80  }
0x47: {  	[tilespmem:s28], [sflag:$0x2] =	stream.indirect.gather [hbm4b:s1+s30], $0x80, s25, s30, $0xb8;
	[tilespmem:$0x1F678] =	vst v63  }
0x48: {  	_ =	swait.ge [sflag:s29], $0x4000  }
0x49: {  	[sflag:s29] =	ssyncset.done $0x0  }
0x4a: {  	s19 =	simm.s32 $0x0;
	[sflag:s29] =	ssyncadd.s32 $0xFFFFC000  }
0x4b: {  	[spmem:s3] =	stream.indirect.scatter.add.f32 [tilespmem:s24], [sflag:$0x5], $0x80, s19, s30, $0xb8;
	[tilespmem:$0x1F678] =	vst v63  }
0x4c: {  	_ =	swait.ge [sflag:s21], $0x4000  }
0x4d: {  	[sflag:s21] =	ssyncset.done $0x0  }
0x4e: {  	p0 =	sle.u32 s6, $0x2;
	[sflag:s21] =	ssyncadd.s32 $0xFFFFC000  }
0x4f: {  	[spmem:s4] =	stream.indirect.scatter.add.f32 [tilespmem:s31], [sflag:$0x5], $0x1, s19, s30, $0xb8;
	[tilespmem:$0x1F678] =	vst v63  }
0x50: {  	s12 =	simm.s32 @!p0 $0x0;
	_ =	swait.ge [sflag:s21], $0x80  }
0x51: {  	s13 =	simm.s32 @!p0 $0x3400;
	s10 =	rddreg [dreg:$0x6];
	[sflag:s21] =	ssyncset.done $0x0  }
0x52: {  	s14 =	simm.s32 @!p0 $0x3;
	[sflag:s21] =	ssyncadd.s32 $0xFFFFFF80;
	s10 =	sadd.s32 @!p0 $0x0, s10  }
0x53: {  	[tilespmem:s13], [sflag:$0x3] =	stream.linear.gather @!p0 [hbm4b:s10+s12], $0x80, $0x38;
	[tilespmem:$0x1F678] =	vst v63  }
0x54: {  	_ =	swait.ge @!p0 [sflag:s14], $0x80  }
0x55: {  	[sflag:s14] =	ssyncset.done @!p0 $0x0  }
0x56: {  	s10 =	simm.s32 @!p0 $0x80;
	s12 =	simm.s32 @!p0 $0x3500;
	[sflag:s14] =	ssyncadd.s32 @!p0 $0xFFFFFF80  }
0x57: {  	[tilespmem:s12], [sflag:$0x1] =	stream.indirect.gather @!p0 [hbm4b:s1+s10], $0x80, s13, s10, $0xb8;
	[tilespmem:$0x1F678] =	vst v63  }
0x58: {  	_ =	swait.ge [sflag:s2], $0x4000  }
0x59: {  	[sflag:s2] =	ssyncset.done $0x0  }
0x5a: {  	[sflag:s2] =	ssyncadd.s32 $0xFFFFC000  }
0x5b: {  	[spmem:s3] =	stream.indirect.scatter.add.f32 [tilespmem:s28], [sflag:$0x5], $0x80, s30, s30, $0xb8;
	[tilespmem:$0x1F678] =	vst v63  }
0x5c: {  	_ =	swait.ge [sflag:s21], $0x4000  }
0x5d: {  	p1 =	sle.u32 s6, $0x3;
	[sflag:s21] =	ssyncset.done $0x0  }
0x5e: {  	s15 =	simm.s32 @!p1 $0x4;
	[sflag:s21] =	ssyncadd.s32 $0xFFFFC000  }
0x5f: {  	[spmem:s4] =	stream.indirect.scatter.add.f32 [tilespmem:s31], [sflag:$0x5], $0x1, s30, s30, $0xb8;
	[tilespmem:$0x1F678] =	vst v63  }
0x60: {  	s16 =	simm.s32 @!p1 $0x80;
	p0 =	sne.s32 s17, $0x20;
	_ =	swait.ge [sflag:s21], $0x80  }
.Ltmp0:
0x61: {  	s10 =	sadd.s32 @!p1 $0x0, s20;
	[sflag:s21] =	ssyncset.done $0x0;
	(pc) =	sbr.rel @!p0 .LBB2_3-.Ltmp0, $4  }
0x62: {  	s12 =	simm.s32 @!p1 $0x3480;
	s13 =	simm.s32 @!p1 $0x0;
	[sflag:s21] =	ssyncadd.s32 $0xFFFFFF80  }
0x63: {  	[tilespmem:s12], [sflag:$0x4] =	stream.linear.gather @!p1 [hbm4b:s10+s13], $0x80, $0x38;
	[tilespmem:$0x1F678] =	vst v63  }
0x64: {  	s18 =	simm.s32 @!p1 $0x7500;
	s14 =	simm.s32 $0x80;
	_ =	swait.ge @!p1 [sflag:s15], $0x80  }
0x65: {  	s10 =	simm.s32 $0x20;
	s13 =	simm.s32 $0x180;
	[sflag:s15] =	ssyncset.done @!p1 $0x0  }
.LBB2_2:
0x66: {  	[sflag:s15] =	ssyncadd.s32 @!p1 $0xFFFFFF80  }
0x67: {  	[tilespmem:s18], [sflag:$0x2] =	stream.indirect.gather @!p1 [hbm4b:s1+s16], $0x80, s12, s16, $0xb8;
	[tilespmem:$0x1F678] =	vst v63  }
0x68: {  	_ =	swait.ge [sflag:s29], $0x4000  }
0x69: {  	[sflag:s29] =	ssyncset.done $0x0  }
0x6a: {  	s18 =	sadd.s32 $0xFFFFFF80, s13;
	[sflag:s29] =	ssyncadd.s32 $0xFFFFC000  }
0x6b: {  	[spmem:s3] =	stream.indirect.scatter.add.f32 [tilespmem:s24], [sflag:$0x5], $0x80, s18, s30, $0xb8;
	[tilespmem:$0x1F678] =	vst v63  }
0x6c: {  	s9 =	sadd.s32 $0x2, s9;
	_ =	swait.ge [sflag:s21], $0x4000  }
0x6d: {  	s19 =	sadd.s32 $0xFFFFFFFF, s9;
	[sflag:s21] =	ssyncset.done $0x0  }
0x6e: {  	p1 =	sge.u32 s19, s6;
	[sflag:s21] =	ssyncadd.s32 $0xFFFFC000  }
0x6f: {  	[spmem:s4] =	stream.indirect.scatter.add.f32 [tilespmem:s31], [sflag:$0x5], $0x1, s18, s30, $0xb8;
	[tilespmem:$0x1F678] =	vst v63  }
0x70: {  	s15 =	smov.u32 s10;
	s16 =	simm.s32 @!p1 $0x0;
	_ =	swait.ge [sflag:s21], $0x80  }
0x71: {  	s19 =	simm.s32 @!p1 $0x3;
	s12 =	rddreg [dreg:$0x6];
	[sflag:s21] =	ssyncset.done $0x0  }
0x72: {  	s18 =	simm.s32 @!p1 $0x3400;
	[sflag:s21] =	ssyncadd.s32 $0xFFFFFF80;
	s12 =	sadd.s32 @!p1 s15, s12  }
0x73: {  	[tilespmem:s18], [sflag:$0x3] =	stream.linear.gather @!p1 [hbm4b:s12+s16], $0x80, $0x38;
	[tilespmem:$0x1F678] =	vst v63  }
0x74: {  	_ =	swait.ge @!p1 [sflag:s19], $0x80  }
0x75: {  	[sflag:s19] =	ssyncset.done @!p1 $0x0  }
0x76: {  	s12 =	simm.s32 @!p1 $0x80;
	s16 =	simm.s32 @!p1 $0x3500;
	[sflag:s19] =	ssyncadd.s32 @!p1 $0xFFFFFF80  }
0x77: {  	[tilespmem:s16], [sflag:$0x1] =	stream.indirect.gather @!p1 [hbm4b:s1+s12], $0x80, s18, s12, $0xb8;
	[tilespmem:$0x1F678] =	vst v63  }
0x78: {  	_ =	swait.ge [sflag:s2], $0x4000  }
0x79: {  	[sflag:s2] =	ssyncset.done $0x0  }
0x7a: {  	[sflag:s2] =	ssyncadd.s32 $0xFFFFC000  }
0x7b: {  	[spmem:s3] =	stream.indirect.scatter.add.f32 [tilespmem:s28], [sflag:$0x5], $0x80, s13, s30, $0xb8;
	[tilespmem:$0x1F678] =	vst v63  }
0x7c: {  	_ =	swait.ge [sflag:s21], $0x4000  }
0x7d: {  	[sflag:s21] =	ssyncset.done $0x0  }
0x7e: {  	s10 =	sadd.s32 $0x20, s10;
	p1 =	sge.u32 s9, s6;
	[sflag:s21] =	ssyncadd.s32 $0xFFFFC000  }
0x7f: {  	[spmem:s4] =	stream.indirect.scatter.add.f32 [tilespmem:s31], [sflag:$0x5], $0x1, s13, s30, $0xb8;
	[tilespmem:$0x1F678] =	vst v63  }
0x80: {  	p0 =	sne.s32 s17, s10;
	s16 =	sadd.s32 @!p1 s15, s20;
	_ =	swait.ge [sflag:s21], $0x80  }
.Ltmp1:
0x81: {  	s12 =	simm.s32 @!p1 $0x3480;
	[sflag:s21] =	ssyncset.done $0x0;
	(pc) =	sbr.rel @p0 .LBB2_2-.Ltmp1, $4  }
0x82: {  	s18 =	simm.s32 @!p1 $0x0;
	s15 =	simm.s32 @!p1 $0x4;
	[sflag:s21] =	ssyncadd.s32 $0xFFFFFF80  }
0x83: {  	[tilespmem:s12], [sflag:$0x4] =	stream.linear.gather @!p1 [hbm4b:s16+s18], $0x80, $0x38;
	[tilespmem:$0x1F678] =	vst v63  }
0x84: {  	s14 =	smov.u32 s13;
	s13 =	sadd.s32 $0x100, s13;
	_ =	swait.ge @!p1 [sflag:s15], $0x80  }
0x85: {  	s16 =	simm.s32 @!p1 $0x80;
	s18 =	simm.s32 @!p1 $0x7500;
	[sflag:s15] =	ssyncset.done @!p1 $0x0  }
.LBB2_3:
0x86: {  	[sflag:s15] =	ssyncadd.s32 @!p1 $0xFFFFFF80  }
0x87: {  	[tilespmem:s18], [sflag:$0x2] =	stream.indirect.gather @!p1 [hbm4b:s1+s16], $0x80, s12, s16, $0xb8;
	[tilespmem:$0x1F678] =	vst v63  }
0x88: {  	_ =	swait.ge [sflag:s29], $0x4000  }
0x89: {  	[sflag:s29] =	ssyncset.done $0x0  }
0x8a: {  	s14 =	sadd.s32 $0x80, s14;
	[sflag:s29] =	ssyncadd.s32 $0xFFFFC000  }
0x8b: {  	[spmem:s3] =	stream.indirect.scatter.add.f32 [tilespmem:s24], [sflag:$0x5], $0x80, s14, s30, $0xb8;
	[tilespmem:$0x1F678] =	vst v63  }
0x8c: {  	_ =	swait.ge [sflag:s21], $0x4000  }
0x8d: {  	s9 =	sadd.s32 $0x2, s9;
	[sflag:s21] =	ssyncset.done $0x0  }
0x8e: {  	s15 =	sadd.s32 $0xFFFFFFFF, s9;
	[sflag:s21] =	ssyncadd.s32 $0xFFFFC000  }
0x8f: {  	[spmem:s4] =	stream.indirect.scatter.add.f32 [tilespmem:s31], [sflag:$0x5], $0x1, s14, s30, $0xb8;
	[tilespmem:$0x1F678] =	vst v63  }
0x90: {  	p0 =	sge.u32 s15, s6;
	_ =	swait.ge [sflag:s21], $0x80  }
0x91: {  	s15 =	simm.s32 @!p0 $0x3400;
	[sflag:s21] =	ssyncset.done $0x0;
	s12 =	rddreg [dreg:$0x11]  }
0x92: {  	s14 =	simm.s32 @!p0 $0x0;
	[sflag:s21] =	ssyncadd.s32 $0xFFFFFF80;
	s12 =	sadd.s32 @!p0 s10, s12  }
0x93: {  	[tilespmem:s15], [sflag:$0x3] =	stream.linear.gather @!p0 [hbm4b:s12+s14], $0x80, $0x38;
	[tilespmem:$0x1F678] =	vst v63  }
0x94: {  	s12 =	simm.s32 @!p0 $0x3  }
0x95: {  	_ =	swait.ge @!p0 [sflag:s12], $0x80  }
0x96: {  	[sflag:s12] =	ssyncset.done @!p0 $0x0  }
0x97: {  	s14 =	simm.s32 @!p0 $0x3500;
	[sflag:s12] =	ssyncadd.s32 @!p0 $0xFFFFFF80;
	s12 =	simm.s32 @!p0 $0x80  }
0x98: {  	[tilespmem:s14], [sflag:$0x1] =	stream.indirect.gather @!p0 [hbm4b:s1+s12], $0x80, s15, s12, $0xb8;
	[tilespmem:$0x1F678] =	vst v63  }
0x99: {  	_ =	swait.ge [sflag:s2], $0x4000  }
0x9a: {  	[sflag:s2] =	ssyncset.done $0x0  }
0x9b: {  	[sflag:s2] =	ssyncadd.s32 $0xFFFFC000  }
0x9c: {  	[spmem:s3] =	stream.indirect.scatter.add.f32 [tilespmem:s28], [sflag:$0x5], $0x80, s13, s30, $0xb8;
	[tilespmem:$0x1F678] =	vst v63  }
0x9d: {  	_ =	swait.ge [sflag:s21], $0x4000  }
0x9e: {  	[sflag:s21] =	ssyncset.done $0x0  }
0x9f: {  	[sflag:s21] =	ssyncadd.s32 $0xFFFFC000  }
0xa0: {  	[spmem:s4] =	stream.indirect.scatter.add.f32 [tilespmem:s31], [sflag:$0x5], $0x1, s13, s30, $0xb8;
	[tilespmem:$0x1F678] =	vst v63  }
0xa1: {  	p0 =	sge.u32 s9, s6;
	_ =	swait.ge [sflag:s21], $0x80  }
0xa2: {  	s12 =	simm.s32 @!p0 $0x3480;
	[sflag:s21] =	ssyncset.done $0x0;
	s9 =	rddreg [dreg:$0x10]  }
0xa3: {  	[sflag:s21] =	ssyncadd.s32 $0xFFFFFF80;
	s9 =	sadd.s32 @!p0 s10, s9;
	s10 =	simm.s32 @!p0 $0x0  }
0xa4: {  	[tilespmem:s12], [sflag:$0x4] =	stream.linear.gather @!p0 [hbm4b:s9+s10], $0x80, $0x38;
	[tilespmem:$0x1F678] =	vst v63  }
0xa5: {  	s9 =	simm.s32 @!p0 $0x4  }
0xa6: {  	_ =	swait.ge @!p0 [sflag:s9], $0x80  }
0xa7: {  	[sflag:s9] =	ssyncset.done @!p0 $0x0  }
0xa8: {  	s10 =	simm.s32 @!p0 $0x7500;
	[sflag:s9] =	ssyncadd.s32 @!p0 $0xFFFFFF80;
	s9 =	simm.s32 @!p0 $0x80  }
0xa9: {  	[tilespmem:s10], [sflag:$0x2] =	stream.indirect.gather @!p0 [hbm4b:s1+s9], $0x80, s12, s9, $0xb8;
	[tilespmem:$0x1F678] =	vst v63  }
0xaa: {  	[bflag:$0x0] =	sbarrier.arrive $0xFFFF  }
0xab: {  	s16 =	rddreg [dreg:$0xd]  }
0xac: {  	[hbm:s16], [sflag:s7] =	dma.local [spmem:s8], $0x2780  }
0xad: {  	_ =	swait.ge [sflag:s21], $0x2780  }
0xae: {  	[sflag:s21] =	ssyncset.done $0x0  }
0xaf: {  	[sflag:s21] =	ssyncadd.s32 $0xFFFFD880  }
0xb0: {  	[tilespmem:s22], [sflag:$0x5] =	stream.linear.gather [spmem:s11], $0x278, $0x38;
	[tilespmem:$0x1F678] =	vst v63  }
0xb1: {  	_ =	swait.ge [sflag:s21], $0x278  }
0xb2: {  	[sflag:s21] =	ssyncset.done $0x0  }
0xb3: {  	s18 =	rddreg [dreg:$0xe];
	[sflag:s21] =	ssyncadd.s32 $0xFFFFFD88  }
0xb4: {  	[hbm4b:s18+s5] =	stream.linear.scatter [tilespmem:s22], [sflag:$0x5], $0x278, $0x38;
	[tilespmem:$0x1F678] =	vst v63  }
0xb5: {  	_ =	swait.ge [sflag:s21], $0x278  }
0xb6: {  	s0 =	sadd.s32 $0x1, s0;
	s19 =	rddreg [dreg:$0xf]  }
0xb7: {  	p0 =	sne.s32 s0, s19  }
.Ltmp2:
0xb8: {  	_ = 	snop;
	(pc) =	sbr.rel @p0 .LBB2_1-.Ltmp2, $3  }
0xb9: {  	_ =	sdelay $0x1  }
0xba: {  	[sflag:s21] =	ssyncset.done $0x0  }
0xbb: {  	[sflag:s21] =	ssyncadd.s32 $0xFFFFFD88  }
0xbc: {  	_ =	sfence.sel $0x180000  }
0xbd: {  	[bflag:$0x0] =	sbarrier.arrive $0xFFFF  }
0xbe: {  	_ =	strace $0x90000047  }
0xbf: {  	s0 =	stileid.u32;
	[bflag:$0x2] =	sbarrier.arrive $0xFFFF  }
0xc0: {  	p0 =	sne.s32 s0, $0x0;
	s0 =	rddreg [dreg:$0x5]  }
0xc1: {  	s0 =	sadd.s32 @!p0 $0x100000, s0  }
0xc2: {  	[sflag:s0] =	ssyncadd.tile.s32 @!p0 $0x1;
	_ =	shalt  }
.Lfunc_end2:
_tile_overlayer_lowered:
.L_overlay_start_2:
0xc3: {  	(tag) =	ssettag $0x2  }
0xc4: {  	s0 =	rddreg [dreg:$0x0];
	s2 =	stileid.u32  }
0xc5: {  	s1 =	rddreg [dreg:$0x1];
	p0 =	sne.s32 s2, $0x0  }
0xc6: {  	s3 =	rddreg [dreg:$0x2];
	[bflag:$0x3] =	sbarrier.arrive $0xFFFF;
	s2 =	simm.s32 @!p0 $0x1C05  }
0xc7: {  	[timem:s3], [sflag:s2] =	dma.local @!p0 [hbm:s0], s1  }
0xc8: {  	s0 =	simm.s32 @!p0 $0x5  }
0xc9: {  	_ =	swait.ge @!p0 [sflag:s0], s1  }
0xca: {  	s1 =	ssub.s32 @!p0 $0x0, s1;
	[sflag:s0] =	ssyncset.done @!p0 $0x0  }
0xcb: {  	[sflag:s0] =	ssyncadd.s32 @!p0 s1  }
0xcc: {  	[bflag:$0x3] =	sbarrier.arrive $0xFFFF  }
0xcd: {  	_ =	shalt  }

// kernel: kernel.9.cloned.1.call-start
scs
__scs_entry_jumppad:
0x0: {  	(pc) =	sbr.rel $0x88, $3  }
0x1: {  	(tag) =	ssettag $0x0;
	lr =	simm.s32 $0x1  }
0x2: {  	[smem:$0x3F93] =	sst lr;
	_ =	strace $0xD0000000  }
0x3: {  	_ = 	snop  }
0x4: {  	_ = 	snop  }
0x5: {  	_ = 	snop  }
0x6: {  	_ = 	snop  }
0x7: {  	_ = 	snop  }
__scs_overlays_trampoline_lowered:
0x8: {  	[smem:$0x3FA2] =	sst s0  }
0x9: {  	[smem:$0x3FA3] =	sst s1  }
0xa: {  	[smem:$0x3FA4] =	sst s2  }
0xb: {  	[smem:$0x3FA5] =	sst s3  }
0xc: {  	[smem:$0x3FA6] =	sst s4  }
0xd: {  	[smem:$0x3FA7] =	sst s5  }
0xe: {  	[smem:$0x3FA8] =	sst s6  }
0xf: {  	[smem:$0x3FA9] =	sst s7  }
0x10: {  	[smem:$0x3FAA] =	sst s8  }
0x11: {  	[smem:$0x3FAB] =	sst s9;
	s0 =	simm.s32 @!p0 $0x0  }
0x12: {  	s1 =	sld [smem:$0x3F91];
	s0 =	simm.s32 @p0 $0x1  }
0x13: {  	[smem:$0x3FAC] =	sst s0;
	s0 =	simm.s32 @!p1 $0x0  }
0x14: {  	s2 =	sld [smem:$0x3F90];
	s0 =	simm.s32 @p1 $0x1  }
0x15: {  	[smem:$0x3FAD] =	sst s0;
	s0 =	simm.s32 @!p2 $0x0  }
0x16: {  	s3 =	sld [smem:$0x3FDB];
	s0 =	simm.s32 @p2 $0x1  }
0x17: {  	s4 =	simm.s32 $0x1BF5;
	[smem:$0x3FAF] =	sst s0  }
0x18: {  	s0 =	sld [smem:$0x3F92];
	_ =	swait.ge [sflag:s4], $0x0  }
0x19: {  	s7 =	sld [smem:$0x3F93]  }
0x1a: {  	s8 =	sadd.s32 $0xFFFFE003, lr  }
0x1b: {  	s9 =	sadd.s32 $0xFFFFFEF7, lr;
	s5 =	simm.s32 $0xFFFFFFFF;
	p2 =	slt.u32 s8, $0xFFFFF086  }
0x1c: {  	p1 =	slt.u32 s9, $0xF7A;
	s5 =	simm.s32 @!p2 $0x0  }
0x1d: {  	s5 =	simm.s32 @p1 $0x1;
	p0 =	seq.s32 s7, s2  }
0x1e: {  	s7 =	smul.u32 @!p0 $0xF7A, s2;
	p2 =	seq.s32 @!p0 s5, $0x0  }
0x1f: {  	s9 =	smul.u32 $0xF7A, s1;
	s8 =	simm.s32 @!p0 $0x1BF5;
	p2 =	por !p2, p0  }
0x20: {  	[sflag:s8] =	ssyncset.s32 @!p0 $0xFFFFF086;
	s6 =	sadd.s32 @!p0 s3, s7;
	s7 =	simm.s32 @!p0 $0x108  }
0x21: {  	s3 =	sadd.s32 s3, s9;
	s6 =	sadd.s32 @!p0 $0x88, s6;
	s7 =	simm.s32 @p2 $0x1082  }
0x22: {  	[simem:s7], [sflag:s8] =	dma.local @!p0 [hbm:s6], $0xF7A  }
0x23: {  	s9 =	sor.u32 $0xD0000000, s2;
	s6 =	simm.s32 $0x108;
	_ =	swait.ge @!p0 [sflag:s8], $0x0  }
0x24: {  	s3 =	sadd.s32 $0x88, s3;
	s6 =	simm.s32 @!p1 $0x1082;
	[sflag:s4] =	ssyncset.s32 $0xFFFFF086  }
0x25: {  	[simem:s6], [sflag:s4] =	dma.local [hbm:s3], $0xF7A  }
0x26: {  	[smem:$0x3F93] =	sst s1;
	(tag) =	ssettag s2;
	_ =	strace s9  }
0x27: {  	s1 =	sld [smem:$0x3FA3]  }
0x28: {  	s2 =	sld [smem:$0x3FA4]  }
0x29: {  	s4 =	sld [smem:$0x3FA6]  }
0x2a: {  	p0 =	seq.s32 s5, $0x0;
	s5 =	sld [smem:$0x3FA7]  }
0x2b: {  	s6 =	sld [smem:$0x3FA8]  }
0x2c: {  	s7 =	sld [smem:$0x3FA9]  }
0x2d: {  	s3 =	simm.s32 $0x108;
	s8 =	sld [smem:$0x3FAA]  }
0x2e: {  	s3 =	simm.s32 @!p0 $0x1082;
	s9 =	sld [smem:$0x3FAB]  }
0x2f: {  	lr =	sadd.s32 s0, s3;
	s0 =	sld [smem:$0x3FA2]  }
0x30: {  	s3 =	sld [smem:$0x3FA5]  }
0x31: {  	[smem:$0x3FAE] =	sst s10  }
0x32: {  	s10 =	sld [smem:$0x3FAC];
	_ =	sdelay $0x3  }
0x33: {  	p0 =	seq.s32 s10, $0x1;
	s10 =	sld [smem:$0x3FAE];
	_ =	sdelay $0x3  }
0x34: {  	[smem:$0x3FAE] =	sst s10  }
0x35: {  	s10 =	sld [smem:$0x3FAD];
	_ =	sdelay $0x3  }
0x36: {  	p1 =	seq.s32 s10, $0x1;
	s10 =	sld [smem:$0x3FAE];
	_ =	sdelay $0x3  }
0x37: {  	[smem:$0x3FAE] =	sst s10  }
0x38: {  	s10 =	sld [smem:$0x3FAF]  }
0x39: {  	_ = 	snop;
	(pc) =	sbr.ind lr, $3  }
0x3a: {  	_ = 	snop  }
0x3b: {  	_ = 	snop  }
0x3c: {  	p2 =	seq.s32 s10, $0x1;
	s10 =	sld [smem:$0x3FAE]  }
0x3d: {  	_ =	shalt  }
0x3e: {  	_ =	shalt  }
0x3f: {  	_ =	shalt  }
0x40: {  	_ =	shalt  }
0x41: {  	_ =	shalt  }
0x42: {  	_ =	shalt  }
0x43: {  	_ =	shalt  }
0x44: {  	_ =	shalt  }
0x45: {  	_ =	shalt  }
0x46: {  	_ =	shalt  }
0x47: {  	_ =	shalt  }
0x48: {  	_ =	shalt  }
0x49: {  	_ =	shalt  }
0x4a: {  	_ =	shalt  }
0x4b: {  	_ =	shalt  }
0x4c: {  	_ =	shalt  }
0x4d: {  	_ =	shalt  }
0x4e: {  	_ =	shalt  }
0x4f: {  	_ =	shalt  }
0x50: {  	_ =	shalt  }
0x51: {  	_ =	shalt  }
0x52: {  	_ =	shalt  }
0x53: {  	_ =	shalt  }
0x54: {  	_ =	shalt  }
0x55: {  	_ =	shalt  }
0x56: {  	_ =	shalt  }
0x57: {  	_ =	shalt  }
0x58: {  	_ =	shalt  }
0x59: {  	_ =	shalt  }
0x5a: {  	_ =	shalt  }
0x5b: {  	_ =	shalt  }
0x5c: {  	_ =	shalt  }
0x5d: {  	_ =	shalt  }
0x5e: {  	_ =	shalt  }
0x5f: {  	_ =	shalt  }
0x60: {  	_ =	shalt  }
0x61: {  	_ =	shalt  }
0x62: {  	_ =	shalt  }
0x63: {  	_ =	shalt  }
0x64: {  	_ =	shalt  }
0x65: {  	_ =	shalt  }
0x66: {  	_ =	shalt  }
0x67: {  	_ =	shalt  }
0x68: {  	_ =	shalt  }
0x69: {  	_ =	shalt  }
0x6a: {  	_ =	shalt  }
0x6b: {  	_ =	shalt  }
0x6c: {  	_ =	shalt  }
0x6d: {  	_ =	shalt  }
0x6e: {  	_ =	shalt  }
0x6f: {  	_ =	shalt  }
0x70: {  	_ =	shalt  }
0x71: {  	_ =	shalt  }
0x72: {  	_ =	shalt  }
0x73: {  	_ =	shalt  }
0x74: {  	_ =	shalt  }
0x75: {  	_ =	shalt  }
0x76: {  	_ =	shalt  }
0x77: {  	_ =	shalt  }
0x78: {  	_ =	shalt  }
0x79: {  	_ =	shalt  }
0x7a: {  	_ =	shalt  }
0x7b: {  	_ =	shalt  }
0x7c: {  	_ =	shalt  }
0x7d: {  	_ =	shalt  }
0x7e: {  	_ =	shalt  }
0x7f: {  	_ =	shalt  }
0x80: {  	_ =	shalt  }
0x81: {  	_ =	shalt  }
0x82: {  	_ =	shalt  }
0x83: {  	_ =	shalt  }
0x84: {  	_ =	shalt  }
0x85: {  	_ =	shalt  }
0x86: {  	_ =	shalt  }
0x87: {  	_ =	shalt  }
.Lfunc_end0:
.L_simem_size_0:
called_computation.1_lowered:
.L_overlay_start_0:
0x88: {  	s2 =	sld [smem:$0x3FD9]  }
0x89: {  	s3 =	sld [smem:$0x3FFE];
	_ =	sdelay $0x1  }
0x8a: {  	s1 =	srdreg.scid  }
0x8b: {  	s0 =	sand.u32 $0x1, s1  }
0x8c: {  	s16 =	sshll.u32 s0, $0xA;
	s2 =	sadd.s32 s3, s2  }
0x8d: {  	s2 =	sadd.s32 s2, s16  }
0x8e: {  	[smem:$0x3FBA] =	sst s2  }
0x8f: {  	_ = 	snop  }
0x90: {  	(tm) =	ssettm $0x1  }
0x91: {  	s17 =	sld [smem:$0x3FFB];
	_ =	sdelay $0x3  }
0x92: {  	_ =	strace s17  }
0x93: {  	s2 =	sld [smem:$0x3FFC];
	_ =	sdelay $0x3  }
0x94: {  	_ =	strace s2  }
0x95: {  	s2 =	sld [smem:$0x3FFD];
	_ =	sdelay $0x3  }
0x96: {  	_ =	strace s2  }
0x97: {  	_ =	strace $0x8FFFFFFF  }
0x98: {  	s18 =	sld [smem:$0x3FDB];
	_ =	sdelay $0x1  }
0x99: {  	s19 =	simm.s32 $_scs_section_size  }
0x9a: {  	s4 =	simm.s32 $_size__tile_overlayer_lowered;
	s5 =	simm.s32 $_tile_overlayer_lowered  }
0x9b: {  	s22 =	simm.s32 $0x1BFF;
	s21 =	sshll.u32 s5, $0x1;
	s2 =	sadd.s32 s19, s18  }
0x9c: {  	s6 =	simm.s32 $0x0;
	s20 =	sshll.u32 s4, $0x1;
	s4 =	sadd.s32 s21, s2  }
0x9d: {  	[timem:s6], [sflag:s22] =	dma.local [hbm:s4], s20  }
0x9e: {  	_ =	swait.ge [sflag:s22], s20  }
0x9f: {  	s3 =	ssub.s32 $0x0, s20;
	[sflag:s22] =	ssyncset.done $0x0  }
0xa0: {  	[sflag:s22] =	ssyncadd.s32 s3;
	_ =	sdelay $0x1  }
0xa1: {  	s23 =	simm.s32 $0x1B8B  }
0xa2: {  	_ =	swait.ge [sflag:s23], $0x1  }
0xa3: {  	[sflag:s23] =	ssyncset.done $0x0  }
0xa4: {  	s25 =	simm.s32 $0x1B8E;
	s24 =	sld [smem:$0x3FFE];
	[sflag:s23] =	ssyncadd.s32 $0xFFFFFFFF  }
0xa5: {  	s26 =	simm.s32 $execute0_lowered;
	[smem:$0x3FD2] =	sst s25  }
0xa6: {  	s4 =	sshll.u32 s26, $0x1;
	_ =	strace $0x80000049;
	[dreg:$0x1] =	wrdreg $0xFFFFFFFF  }
0xa7: {  	s28 =	simm.s32 $_size_execute0_lowered;
	s2 =	sadd.s32 s2, s4;
	[dreg:$0x0] =	wrdreg $0x0  }
0xa8: {  	s4 =	sshll.u32 s28, $0x1;
	[dreg:$0x2] =	wrdreg s2  }
0xa9: {  	[dreg:$0x3] =	wrdreg s4  }
0xaa: {  	[dreg:$0x4] =	wrdreg $0xC0  }
0xab: {  	_ =	task [dreg:s6], $0x5FFFF  }
0xac: {  	[dreg:$0x1] =	wrdreg $0xFFFFFFFF  }
0xad: {  	[dreg:$0x0] =	wrdreg $0x60  }
0xae: {  	[dreg:$0x2] =	wrdreg s24  }
0xaf: {  	[dreg:$0x3] =	wrdreg $0xB5000  }
0xb0: {  	[dreg:$0x4] =	wrdreg $0x9  }
0xb1: {  	_ =	task.clear_ibuf [dreg:s6], $0x5FFFF;
	_ =	strace $0x90000049  }
0xb2: {  	s29 =	simm.s32 $0x9;
	_ =	strace $0x8000004B  }
0xb3: {  	_ =	swait.ge [sflag:s29], $0x1  }
0xb4: {  	[sflag:s29] =	ssyncadd.s32 $0xFFFFFFFF  }
0xb5: {  	_ =	strace $0x9000004B  }
0xb6: {  	_ =	sfence  }
0xb7: {  	s30 =	sld [smem:$0x0];
	_ =	sdelay $0x2  }
0xb8: {  	s31 =	sshll.u32 s1, $0xD;
	s1 =	sshrl.u32 s1, $0x2  }
0xb9: {  	s3 =	sand.u32 $0x4000, s31;
	s1 =	sadd.s32 s1, s30  }
0xba: {  	s0 =	sor.u32 s3, s0;
	s1 =	sshll.u32 s1, $0x11  }
0xbb: {  	s0 =	sor.u32 s1, s0  }
0xbc: {  	s0 =	sadd.s32 $0x8F2B, s0  }
0xbd: {  	[sflag:s0] =	ssyncadd.remote.s32 $0x1  }
0xbe: {  	_ =	sfence.sel $0xFFFF  }
0xbf: {  	[dreg:$0x0] =	wrdreg $0xFFFFFFFF;
	(pc) =	sbr.abs _section_cstart, $3  }
0xc0: {  	[dreg:$0x1] =	wrdreg $0xFFFFFFFF  }
0xc1: {  	_ =	task.clear_ibuf [dreg:s6], $0x2FFFF;
	_ =	strace $0x9FFFFFFF  }
0xc2: {  	(tm) =	ssettm $0x7FFFFFFF  }
0xc3: {  	_ =	shalt  }
tec
execute0_lowered:
.L_overlay_start_1:
0x0: {  	(tag) =	ssettag $0x1  }
0x1: {  	s0 =	rddreg [dreg:$0x0];
	s1 =	srdreg.scid  }
0x2: {  	s17 =	stileid.u32;
	s2 =	rddreg [dreg:$0x1];
	s3 =	simm.s32 $0x0  }
0x3: {  	s28 =	simm.s32 $0x2;
	s29 =	simm.s32 $0x0;
	s6 =	smul.u32 $0x13C00, s17  }
0x4: {  	s1 =	sand.u32 $0x1, s1;
	s4 =	sshll.u32 s17, $0x1;
	s12 =	smul.u32 $0x4F000, s17  }
0x5: {  	[smem:$0x7FF] =	sst s3;
	s8 =	sadd.s32 $0xFE00, s0;
	s16 =	smul.u32 $0x6800, s17  }
0x6: {  	s31 =	sshll.u32 s17, $0x6;
	s4 =	sor.u32 s1, s4;
	s14 =	smul.u32 $0x13C000, s1  }
0x7: {  	s15 =	ssub.s32 $0x2, s1;
	p0 =	seq.s32 s1, $0x0;
	s1 =	smul.u32 $0x3400, s1  }
0x8: {  	s17 =	simm.s32 $0x5;
	_ =	strace $0x8000004A;
	s5 =	smul.u32 $0x3400, s4  }
0x9: {  	s4 =	sadd.s32 $0x44C00, s0;
	s10 =	sshrl.u32 s6, $0x3;
	s11 =	sshrl.u32 s15, $0x1  }
0xa: {  	s18 =	sshrl.u32 s12, $0x2;
	s10 =	sadd.s32 s10, s0;
	s1 =	sadd.s32 s1, s16  }
0xb: {  	s7 =	sshrl.u32 s5, $0x3;
	s5 =	sadd.s32 s6, s14;
	s6 =	ssub.s32 s15, s11  }
0xc: {  	s10 =	sadd.s32 $0x1D400, s10;
	s20 =	sor.u32 $0x280, s1;
	s24 =	sor.u32 $0x200, s1  }
0xd: {  	s26 =	sor.u32 $0x100, s1;
	s1 =	sor.u32 $0x180, s1;
	s9 =	sadd.s32 s7, s0  }
0xe: {  	s5 =	sshrl.u32 s5, $0x3;
	s7 =	sadd.s32 s8, s7;
	[dreg:$0x4] =	wrdreg s10  }
0xf: {  	s21 =	smax.u32 s6, $0x1;
	s22 =	sshrl.u32 s20, $0x3;
	s25 =	sshrl.u32 s24, $0x3  }
0x10: {  	s30 =	sshrl.u32 s26, $0x3;
	s1 =	sshrl.u32 s1, $0x3;
	s20 =	simm.s32 $0x3400  }
0x11: {  	s24 =	simm.s32 $0x7500;
	s26 =	simm.s32 $0x80;
	s0 =	sadd.s32 s5, s0  }
0x12: {  	s5 =	simm.s32 $0x68;
	s9 =	sadd.s32 $0x2E00, s9;
	s19 =	sadd.s32 $0x10, s7  }
0x13: {  	[dreg:$0x7] =	wrdreg s21;
	s15 =	sadd.s32 s30, s8;
	s16 =	sadd.s32 s1, s8  }
0x14: {  	s21 =	simm.s32 $0x3500;
	s5 =	simm.s32 @!p0 $0x36;
	[dreg:$0x3] =	wrdreg s9  }
0x15: {  	s9 =	sadd.s32 s18, s2;
	[dreg:$0x5] =	wrdreg s19;
	s0 =	sadd.s32 $0x6BE00, s0  }
0x16: {  	s18 =	sor.u32 $0x1C05, s31;
	[dreg:$0x6] =	wrdreg s0;
	s23 =	sshll.u32 s5, $0x4  }
0x17: {  	s0 =	sadd.s32 s22, s8;
	s19 =	sshrl.u32 s9, $0x3;
	s22 =	simm.s32 $0x3480  }
0x18: {  	s12 =	sadd.s32 $0xFFFFFFE0, s23;
	s13 =	sadd.s32 $0xFFFFFFE0, s0;
	s0 =	sadd.s32 s25, s8  }
0x19: {  	s23 =	simm.s32 $0x4;
	s25 =	simm.s32 $0x1;
	s14 =	sadd.s32 $0xFFFFFFE0, s0  }
.LBB2_1:
0x1a: {  	s0 =	rddreg [dreg:$0x3]  }
0x1b: {  	[tilespmem:s3], [sflag:$0x5] =	stream.linear.gather [hbm4b:s0+s3], $0x3400, $0x38;
	[tilespmem:$0x1F100] =	vst v63  }
0x1c: {  	_ =	swait.ge [sflag:s17], $0x3400  }
0x1d: {  	[sflag:s17] =	ssyncset.done $0x0  }
0x1e: {  	s9 =	rddreg [dreg:$0x4];
	[sflag:s17] =	ssyncadd.s32 $0xFFFFCC00  }
0x1f: {  	[spmem:s19], [sflag:s18] =	dma.local [hbm:s9], $0x2780  }
0x20: {  	_ =	swait.ge [sflag:s17], $0x2780  }
0x21: {  	[sflag:s17] =	ssyncset.done $0x0  }
0x22: {  	[sflag:s17] =	ssyncadd.s32 $0xFFFFD880  }
0x23: {  	s30 =	simm.s32 $0x3;
	[bflag:$0x0] =	sbarrier.arrive $0xFFFF  }
0x24: {  	[tilespmem:s20], [sflag:$0x3] =	stream.linear.gather [hbm4b:s7+s3], $0x80, $0x38;
	[tilespmem:$0x1F100] =	vst v63  }
0x25: {  	_ =	swait.ge [sflag:s30], $0x80  }
0x26: {  	[sflag:s30] =	ssyncset.done $0x0  }
0x27: {  	[sflag:s30] =	ssyncadd.s32 $0xFFFFFF80  }
0x28: {  	[tilespmem:s21], [sflag:$0x1] =	stream.indirect.gather [hbm4b:s4+s26], $0x80, s20, s26, $0xb8;
	[tilespmem:$0x1F100] =	vst v63  }
0x29: {  	s10 =	rddreg [dreg:$0x5]  }
0x2a: {  	[tilespmem:s22], [sflag:$0x4] =	stream.linear.gather [hbm4b:s10+s3], $0x80, $0x38;
	[tilespmem:$0x1F100] =	vst v63  }
0x2b: {  	_ =	swait.ge [sflag:s23], $0x80  }
0x2c: {  	[sflag:s23] =	ssyncset.done $0x0  }
0x2d: {  	[sflag:s23] =	ssyncadd.s32 $0xFFFFFF80  }
0x2e: {  	[tilespmem:s24], [sflag:$0x2] =	stream.indirect.gather [hbm4b:s4+s26], $0x80, s22, s26, $0xb8;
	[tilespmem:$0x1F100] =	vst v63  }
0x2f: {  	_ =	swait.ge [sflag:s25], $0x4000  }
0x30: {  	[sflag:s25] =	ssyncset.done $0x0  }
0x31: {  	s11 =	simm.s32 $0x0;
	[sflag:s25] =	ssyncadd.s32 $0xFFFFC000  }
0x32: {  	[spmem:s2] =	stream.indirect.scatter.add.f32 [tilespmem:s21], [sflag:$0x5], $0x80, s11, s26, $0xb8;
	[tilespmem:$0x1F100] =	vst v63  }
0x33: {  	p0 =	sle.u32 s5, $0x2;
	_ =	swait.ge [sflag:s17], $0x4000  }
0x34: {  	s0 =	sadd.s32 @!p0 $0x0, s15;
	s1 =	simm.s32 @!p0 $0x0;
	[sflag:s17] =	ssyncset.done $0x0  }
0x35: {  	s6 =	simm.s32 @!p0 $0x3400;
	s8 =	simm.s32 @!p0 $0x3;
	[sflag:s17] =	ssyncadd.s32 $0xFFFFC000  }
0x36: {  	[tilespmem:s6], [sflag:$0x3] =	stream.linear.gather @!p0 [hbm4b:s0+s1], $0x80, $0x38;
	[tilespmem:$0x1F100] =	vst v63  }
0x37: {  	_ =	swait.ge @!p0 [sflag:s8], $0x80  }
0x38: {  	[sflag:s8] =	ssyncset.done @!p0 $0x0  }
0x39: {  	s0 =	simm.s32 @!p0 $0x80;
	s1 =	simm.s32 @!p0 $0x3500;
	[sflag:s8] =	ssyncadd.s32 @!p0 $0xFFFFFF80  }
0x3a: {  	[tilespmem:s1], [sflag:$0x1] =	stream.indirect.gather @!p0 [hbm4b:s4+s0], $0x80, s6, s0, $0xb8;
	[tilespmem:$0x1F100] =	vst v63  }
0x3b: {  	_ =	swait.ge [sflag:s28], $0x4000  }
0x3c: {  	[sflag:s28] =	ssyncset.done $0x0  }
0x3d: {  	p1 =	sle.u32 s5, $0x3;
	s31 =	simm.s32 $0x20;
	[sflag:s28] =	ssyncadd.s32 $0xFFFFC000  }
0x3e: {  	[spmem:s2] =	stream.indirect.scatter.add.f32 [tilespmem:s24], [sflag:$0x5], $0x80, s26, s26, $0xb8;
	[tilespmem:$0x1F100] =	vst v63  }
0x3f: {  	s8 =	simm.s32 @!p1 $0x4;
	p0 =	sne.s32 s12, $0x20;
	_ =	swait.ge [sflag:s17], $0x4000  }
.Ltmp0:
0x40: {  	s0 =	sadd.s32 @!p1 $0x0, s16;
	[sflag:s17] =	ssyncset.done $0x0;
	(pc) =	sbr.rel @!p0 .LBB2_3-.Ltmp0, $4  }
0x41: {  	s6 =	simm.s32 @!p1 $0x3480;
	s1 =	simm.s32 @!p1 $0x0;
	[sflag:s17] =	ssyncadd.s32 $0xFFFFC000  }
0x42: {  	[tilespmem:s6], [sflag:$0x4] =	stream.linear.gather @!p1 [hbm4b:s0+s1], $0x80, $0x38;
	[tilespmem:$0x1F100] =	vst v63  }
0x43: {  	s9 =	simm.s32 @!p1 $0x80;
	s10 =	simm.s32 @!p1 $0x7500;
	_ =	swait.ge @!p1 [sflag:s8], $0x80  }
0x44: {  	s1 =	simm.s32 $0x180;
	s0 =	simm.s32 $0x80;
	[sflag:s8] =	ssyncset.done @!p1 $0x0  }
.LBB2_2:
0x45: {  	s0 =	smov.u32 s1;
	s30 =	sadd.s32 $0x2, s30  }
0x46: {  	[sflag:s8] =	ssyncadd.s32 @!p1 $0xFFFFFF80;
	s8 =	smov.u32 s31;
	s31 =	sadd.s32 $0x20, s31  }
0x47: {  	[tilespmem:s10], [sflag:$0x2] =	stream.indirect.gather @!p1 [hbm4b:s4+s9], $0x80, s6, s9, $0xb8;
	[tilespmem:$0x1F100] =	vst v63  }
0x48: {  	p0 =	sne.s32 s12, s31;
	_ =	swait.ge [sflag:s25], $0x4000  }
0x49: {  	[sflag:s25] =	ssyncset.done $0x0  }
0x4a: {  	s6 =	sadd.s32 $0xFFFFFF80, s1;
	[sflag:s25] =	ssyncadd.s32 $0xFFFFC000  }
0x4b: {  	[spmem:s2] =	stream.indirect.scatter.add.f32 [tilespmem:s21], [sflag:$0x5], $0x80, s6, s26, $0xb8;
	[tilespmem:$0x1F100] =	vst v63  }
0x4c: {  	s6 =	sadd.s32 $0xFFFFFFFF, s30;
	_ =	swait.ge [sflag:s17], $0x4000  }
0x4d: {  	p1 =	sge.u32 s6, s5;
	[sflag:s17] =	ssyncset.done $0x0  }
0x4e: {  	s6 =	sadd.s32 @!p1 s8, s15;
	s9 =	simm.s32 @!p1 $0x0;
	[sflag:s17] =	ssyncadd.s32 $0xFFFFC000  }
0x4f: {  	s10 =	simm.s32 @!p1 $0x3400;
	s11 =	simm.s32 @!p1 $0x3  }
0x50: {  	[tilespmem:s10], [sflag:$0x3] =	stream.linear.gather @!p1 [hbm4b:s6+s9], $0x80, $0x38;
	[tilespmem:$0x1F100] =	vst v63  }
0x51: {  	_ =	swait.ge @!p1 [sflag:s11], $0x80  }
0x52: {  	s6 =	simm.s32 @!p1 $0x80;
	s9 =	simm.s32 @!p1 $0x3500;
	[sflag:s11] =	ssyncset.done @!p1 $0x0  }
0x53: {  	[sflag:s11] =	ssyncadd.s32 @!p1 $0xFFFFFF80  }
0x54: {  	[tilespmem:s9], [sflag:$0x1] =	stream.indirect.gather @!p1 [hbm4b:s4+s6], $0x80, s10, s6, $0xb8;
	[tilespmem:$0x1F100] =	vst v63  }
0x55: {  	_ =	swait.ge [sflag:s28], $0x4000  }
0x56: {  	[sflag:s28] =	ssyncset.done $0x0  }
0x57: {  	p1 =	sge.u32 s30, s5;
	[sflag:s28] =	ssyncadd.s32 $0xFFFFC000  }
0x58: {  	[spmem:s2] =	stream.indirect.scatter.add.f32 [tilespmem:s24], [sflag:$0x5], $0x80, s1, s26, $0xb8;
	[tilespmem:$0x1F100] =	vst v63  }
0x59: {  	s9 =	sadd.s32 @!p1 s8, s16;
	_ =	swait.ge [sflag:s17], $0x4000  }
.Ltmp1:
0x5a: {  	s6 =	simm.s32 @!p1 $0x3480;
	[sflag:s17] =	ssyncset.done $0x0;
	(pc) =	sbr.rel @p0 .LBB2_2-.Ltmp1, $4  }
0x5b: {  	s10 =	simm.s32 @!p1 $0x0;
	s8 =	simm.s32 @!p1 $0x4;
	[sflag:s17] =	ssyncadd.s32 $0xFFFFC000  }
0x5c: {  	[tilespmem:s6], [sflag:$0x4] =	stream.linear.gather @!p1 [hbm4b:s9+s10], $0x80, $0x38;
	[tilespmem:$0x1F100] =	vst v63  }
0x5d: {  	s1 =	sadd.s32 $0x100, s1;
	_ =	swait.ge @!p1 [sflag:s8], $0x80  }
0x5e: {  	s9 =	simm.s32 @!p1 $0x80;
	s10 =	simm.s32 @!p1 $0x7500;
	[sflag:s8] =	ssyncset.done @!p1 $0x0  }
.LBB2_3:
0x5f: {  	[sflag:s8] =	ssyncadd.s32 @!p1 $0xFFFFFF80  }
0x60: {  	[tilespmem:s10], [sflag:$0x2] =	stream.indirect.gather @!p1 [hbm4b:s4+s9], $0x80, s6, s9, $0xb8;
	[tilespmem:$0x1F100] =	vst v63  }
0x61: {  	_ =	swait.ge [sflag:s25], $0x4000  }
0x62: {  	s10 =	sadd.s32 $0x2, s30;
	[sflag:s25] =	ssyncset.done $0x0  }
0x63: {  	s0 =	sadd.s32 $0x80, s0;
	s11 =	sadd.s32 $0xFFFFFFFF, s10;
	[sflag:s25] =	ssyncadd.s32 $0xFFFFC000  }
0x64: {  	[spmem:s2] =	stream.indirect.scatter.add.f32 [tilespmem:s21], [sflag:$0x5], $0x80, s0, s26, $0xb8;
	[tilespmem:$0x1F100] =	vst v63  }
0x65: {  	p0 =	sge.u32 s11, s5;
	_ =	swait.ge [sflag:s17], $0x4000  }
0x66: {  	s6 =	sadd.s32 @!p0 s31, s14;
	[sflag:s17] =	ssyncset.done $0x0  }
0x67: {  	s8 =	simm.s32 @!p0 $0x0;
	s9 =	simm.s32 @!p0 $0x3400;
	[sflag:s17] =	ssyncadd.s32 $0xFFFFC000  }
0x68: {  	[tilespmem:s9], [sflag:$0x3] =	stream.linear.gather @!p0 [hbm4b:s6+s8], $0x80, $0x38;
	[tilespmem:$0x1F100] =	vst v63  }
0x69: {  	s6 =	simm.s32 @!p0 $0x3  }
0x6a: {  	_ =	swait.ge @!p0 [sflag:s6], $0x80  }
0x6b: {  	[sflag:s6] =	ssyncset.done @!p0 $0x0  }
0x6c: {  	s8 =	simm.s32 @!p0 $0x3500;
	[sflag:s6] =	ssyncadd.s32 @!p0 $0xFFFFFF80;
	s6 =	simm.s32 @!p0 $0x80  }
0x6d: {  	[tilespmem:s8], [sflag:$0x1] =	stream.indirect.gather @!p0 [hbm4b:s4+s6], $0x80, s9, s6, $0xb8;
	[tilespmem:$0x1F100] =	vst v63  }
0x6e: {  	_ =	swait.ge [sflag:s28], $0x4000  }
0x6f: {  	[sflag:s28] =	ssyncset.done $0x0  }
0x70: {  	[sflag:s28] =	ssyncadd.s32 $0xFFFFC000  }
0x71: {  	[spmem:s2] =	stream.indirect.scatter.add.f32 [tilespmem:s24], [sflag:$0x5], $0x80, s1, s26, $0xb8;
	[tilespmem:$0x1F100] =	vst v63  }
0x72: {  	p0 =	sge.u32 s10, s5;
	_ =	swait.ge [sflag:s17], $0x4000  }
0x73: {  	s0 =	sadd.s32 @!p0 s31, s13;
	[sflag:s17] =	ssyncset.done $0x0  }
0x74: {  	s6 =	simm.s32 @!p0 $0x3480;
	s1 =	simm.s32 @!p0 $0x0;
	[sflag:s17] =	ssyncadd.s32 $0xFFFFC000  }
0x75: {  	[tilespmem:s6], [sflag:$0x4] =	stream.linear.gather @!p0 [hbm4b:s0+s1], $0x80, $0x38;
	[tilespmem:$0x1F100] =	vst v63  }
0x76: {  	s0 =	simm.s32 @!p0 $0x4  }
0x77: {  	_ =	swait.ge @!p0 [sflag:s0], $0x80  }
0x78: {  	[sflag:s0] =	ssyncset.done @!p0 $0x0  }
0x79: {  	s1 =	simm.s32 @!p0 $0x7500;
	[sflag:s0] =	ssyncadd.s32 @!p0 $0xFFFFFF80;
	s0 =	simm.s32 @!p0 $0x80  }
0x7a: {  	[tilespmem:s1], [sflag:$0x2] =	stream.indirect.gather @!p0 [hbm4b:s4+s0], $0x80, s6, s0, $0xb8;
	[tilespmem:$0x1F100] =	vst v63  }
0x7b: {  	[bflag:$0x0] =	sbarrier.arrive $0xFFFF  }
0x7c: {  	s30 =	rddreg [dreg:$0x6]  }
0x7d: {  	[hbm:s30], [sflag:s18] =	dma.local [spmem:s19], $0x2780  }
0x7e: {  	_ =	swait.ge [sflag:s17], $0x2780  }
0x7f: {  	s29 =	sadd.s32 $0x1, s29;
	s31 =	rddreg [dreg:$0x7]  }
0x80: {  	p0 =	sne.s32 s29, s31  }
.Ltmp2:
0x81: {  	_ = 	snop;
	(pc) =	sbr.rel @p0 .LBB2_1-.Ltmp2, $3  }
0x82: {  	_ =	sdelay $0x1  }
0x83: {  	[sflag:s17] =	ssyncset.done $0x0  }
0x84: {  	[sflag:s17] =	ssyncadd.s32 $0xFFFFD880  }
0x85: {  	_ =	sfence.sel $0x180000  }
0x86: {  	[bflag:$0x0] =	sbarrier.arrive $0xFFFF  }
0x87: {  	_ =	strace $0x9000004A  }
0x88: {  	s0 =	stileid.u32;
	[bflag:$0x2] =	sbarrier.arrive $0xFFFF  }
0x89: {  	p0 =	sne.s32 s0, $0x0;
	s0 =	rddreg [dreg:$0x2]  }
0x8a: {  	s0 =	sadd.s32 @!p0 $0x100000, s0  }
0x8b: {  	[sflag:s0] =	ssyncadd.tile.s32 @!p0 $0x1;
	_ =	shalt  }
.Lfunc_end2:
_tile_overlayer_lowered:
.L_overlay_start_2:
0x8c: {  	(tag) =	ssettag $0x2  }
0x8d: {  	s0 =	rddreg [dreg:$0x0];
	s2 =	stileid.u32  }
0x8e: {  	s1 =	rddreg [dreg:$0x1];
	p0 =	sne.s32 s2, $0x0  }
0x8f: {  	s3 =	rddreg [dreg:$0x2];
	[bflag:$0x3] =	sbarrier.arrive $0xFFFF;
	s2 =	simm.s32 @!p0 $0x1C05  }
0x90: {  	[timem:s3], [sflag:s2] =	dma.local @!p0 [hbm:s0], s1  }
0x91: {  	s0 =	simm.s32 @!p0 $0x5  }
0x92: {  	_ =	swait.ge @!p0 [sflag:s0], s1  }
0x93: {  	s1 =	ssub.s32 @!p0 $0x0, s1;
	[sflag:s0] =	ssyncset.done @!p0 $0x0  }
0x94: {  	[sflag:s0] =	ssyncadd.s32 @!p0 s1  }
0x95: {  	[bflag:$0x3] =	sbarrier.arrive $0xFFFF  }
0x96: {  	_ =	shalt  }

</sc_bundles>
